<compile_context>
chip_gen: v7x
topology: tpu7x:2x2x1
jax: 0.10.2.dev20260603
libtpu: 0.0.44.dev20260713+nightly
codegen_flags: <defaults>
</compile_context>

<pallas_src>
import math

import jax
import jax.numpy as jnp
from jax.experimental import pallas as pl
from jax.experimental.pallas import tpu as pltpu

D = 256
H = 4
OUT = D // H
NUM_LAYERS = 2
C = 3
B = 16
NEG_SLOPE = 0.2
ROWB = 512
AROWB = 256


def _full(shape):
    return pl.BlockSpec(shape, lambda i: tuple(0 for _ in shape))


def _rows(shape):
    return pl.BlockSpec(shape, lambda i: (i,) + tuple(0 for _ in shape[1:]))



def _gat_node_body(x_ref, bias_ref, w_ref, a_ref, xh_ref, asd_ref):
    xb = x_ref[...] + bias_ref[...]
    xh = jnp.dot(xb, w_ref[...], preferred_element_type=jnp.float32)
    xh_ref[...] = xh
    asd_ref[...] = jnp.dot(xh, a_ref[...], preferred_element_type=jnp.float32)


def _gat_node(x, bias, W, A_pack):
    n = x.shape[0]
    grid = n // ROWB
    return pl.pallas_call(
        _gat_node_body,
        grid=(grid,),
        in_specs=[_rows((ROWB, D)), _full((1, D)), _full((D, D)), _full((D, 128))],
        out_specs=[_rows((ROWB, D)), _rows((ROWB, 128))],
        out_shape=[
            jax.ShapeDtypeStruct((n, D), jnp.float32),
            jax.ShapeDtypeStruct((n, 128), jnp.float32),
        ],
    )(x, bias, W, A_pack)



def _qkv_body(h_ref, p_ref, bias_ref, wq_ref, wk_ref, wv_ref, q_ref, k_ref, v_ref):
    hb = h_ref[...] + bias_ref[...]
    pb = p_ref[...] + bias_ref[...]
    q_ref[...] = jnp.dot(hb, wq_ref[...], preferred_element_type=jnp.float32)
    k_ref[...] = jnp.dot(pb, wk_ref[...], preferred_element_type=jnp.float32)
    v_ref[...] = jnp.dot(pb, wv_ref[...], preferred_element_type=jnp.float32)


def _qkv(h_raw, p_raw, bias, Wq, Wk, Wv):
    n = h_raw.shape[0]
    grid = n // ROWB
    return pl.pallas_call(
        _qkv_body,
        grid=(grid,),
        in_specs=[_rows((ROWB, D)), _rows((ROWB, D)), _full((1, D)),
                  _full((D, D)), _full((D, D)), _full((D, D))],
        out_specs=[_rows((ROWB, D))] * 3,
        out_shape=[jax.ShapeDtypeStruct((n, D), jnp.float32)] * 3,
    )(h_raw, p_raw, bias, Wq, Wk, Wv)



def _attn_body(q_ref, k_ref, v_ref, segh_ref, segp_ref, out_ref):
    q = q_ref[...]
    k = k_ref[...]
    v = v_ref[...]
    s = jax.lax.dot_general(q, k, (((1,), (1,)), ((), ())),
                            preferred_element_type=jnp.float32)
    mask = segh_ref[...] == segp_ref[...]
    s = jnp.where(mask, s, -jnp.inf)
    m = jnp.max(s, axis=1, keepdims=True)
    safe_m = jnp.where(m == -jnp.inf, 0.0, m)
    e = jnp.exp((s - safe_m) * (1.0 / math.sqrt(D)))
    denom = jnp.sum(e, axis=1, keepdims=True)
    num = jnp.dot(e, v, preferred_element_type=jnp.float32)
    out_ref[...] = num / jnp.where(denom == 0.0, 1.0, denom)


def _attention(Q, K, V, segh_col, segp_row):
    n = Q.shape[0]
    grid = n // AROWB
    return pl.pallas_call(
        _attn_body,
        grid=(grid,),
        in_specs=[_rows((AROWB, D)), _full((n, D)), _full((n, D)),
                  _rows((AROWB, 1)), _full((1, n))],
        out_specs=_rows((AROWB, D)),
        out_shape=jax.ShapeDtypeStruct((n, D), jnp.float32),
    )(Q, K, V, segh_col, segp_row)



def _ffn_body(ph_ref, h_ref, bias_ref, w1_ref, b1_ref, w2_ref, b2_ref, out_ref):
    ph = ph_ref[...]
    hb = h_ref[...] + bias_ref[...]
    w1 = w1_ref[...]
    u = (jnp.dot(ph, w1[0:D], preferred_element_type=jnp.float32)
         + jnp.dot(hb, w1[D:2 * D], preferred_element_type=jnp.float32)
         + jnp.dot(ph - hb, w1[2 * D:3 * D], preferred_element_type=jnp.float32)
         + jnp.dot(ph * hb, w1[3 * D:4 * D], preferred_element_type=jnp.float32)
         + b1_ref[...])
    u = jnp.maximum(u, 0.0)
    out_ref[...] = jnp.dot(u, w2_ref[...], preferred_element_type=jnp.float32) + b2_ref[...]


def _ffn(p_hat, h_raw, bias, W1, b1, W2, b2):
    n = p_hat.shape[0]
    grid = n // ROWB
    return pl.pallas_call(
        _ffn_body,
        grid=(grid,),
        in_specs=[_rows((ROWB, D)), _rows((ROWB, D)), _full((1, D)),
                  _full((4 * D, D)), _full((1, D)), _full((D, D)), _full((1, D))],
        out_specs=_rows((ROWB, D)),
        out_shape=jax.ShapeDtypeStruct((n, D), jnp.float32),
    )(p_hat, h_raw, bias, W1, b1, W2, b2)



def _final_body(cmp_ref, v_ref, segh_row_ref, segh_col_ref, segp_row_ref,
                w1_ref, b1_ref, w2_ref, b2_ref,
                wc1_ref, bc1_ref, wc2_ref, bc2_ref, label_ref,
                logits_ref, loss_ref):
    cmp_r = cmp_ref[...]
    v = v_ref[...]
    segh_row = segh_row_ref[...]
    segp_row = segp_row_ref[...]
    n = cmp_r.shape[0]

    bidx = jax.lax.broadcasted_iota(jnp.int32, (B, n), 0)
    mh = (bidx == segh_row).astype(jnp.float32)
    mp = (bidx == segp_row).astype(jnp.float32)

    counts_h = jnp.sum(mh, axis=1, keepdims=True)
    counts_p = jnp.sum(mp, axis=1, keepdims=True)
    len_h = jnp.max(counts_h)
    len_p = jnp.max(counts_p)

    segV = jnp.dot(mp, v, preferred_element_type=jnp.float32)
    php = segV / len_p
    w1 = w1_ref[...]
    u = (jnp.dot(php, w1[0:D] + w1[2 * D:3 * D], preferred_element_type=jnp.float32)
         + b1_ref[...])
    u = jnp.maximum(u, 0.0)
    cmp_pad = jnp.dot(u, w2_ref[...], preferred_element_type=jnp.float32) + b2_ref[...]

    row_sum = jnp.dot(mh, cmp_r, preferred_element_type=jnp.float32)
    segh_col = segh_col_ref[...]
    maxes = []
    for b in range(B):
        mb = jnp.where(segh_col == b, cmp_r, -jnp.inf)
        maxes.append(jnp.max(mb, axis=0, keepdims=True))
    row_max = jnp.concatenate(maxes, axis=0)

    has_pad = counts_h < len_h
    sent_max = jnp.where(has_pad, jnp.maximum(row_max, cmp_pad), row_max)
    n_pad = len_h - counts_h
    sent_mean = (row_sum + n_pad * cmp_pad) / len_h

    wc1 = wc1_ref[...]
    t = (jnp.dot(sent_max, wc1[0:D], preferred_element_type=jnp.float32)
         + jnp.dot(sent_mean, wc1[D:2 * D], preferred_element_type=jnp.float32)
         + bc1_ref[...])
    t = jnp.maximum(t, 0.0)
    logits = jnp.dot(t, wc2_ref[...], preferred_element_type=jnp.float32) + bc2_ref[...]
    logits_ref[...] = logits

    z = label_ref[...]
    lane = jax.lax.broadcasted_iota(jnp.int32, (B, 128), 1)
    term = jnp.maximum(logits, 0.0) - logits * z + jnp.log1p(jnp.exp(-jnp.abs(logits)))
    term = jnp.where(lane < C, term, 0.0)
    loss_ref[...] = jnp.sum(term, keepdims=True).reshape(1, 1) / (B * C)


def _final(cmp_r, V, segh_row, segh_col, segp_row, W1, b1, W2, b2,
           Wc1, bc1, Wc2p, bc2p, label_p):
    n = cmp_r.shape[0]
    return pl.pallas_call(
        _final_body,
        grid=(1,),
        in_specs=[_full((n, D)), _full((n, D)), _full((1, n)), _full((n, 1)),
                  _full((1, n)), _full((4 * D, D)), _full((1, D)), _full((D, D)),
                  _full((1, D)), _full((2 * D, D)), _full((1, D)), _full((D, 128)),
                  _full((1, 128)), _full((B, 128))],
        out_specs=[_full((B, 128)), _full((1, 1))],
        out_shape=[
            jax.ShapeDtypeStruct((B, 128), jnp.float32),
            jax.ShapeDtypeStruct((1, 1), jnp.float32),
        ],
    )(cmp_r, V, segh_row, segh_col, segp_row, W1, b1, W2, b2,
      Wc1, bc1, Wc2p, bc2p, label_p)



ETILE = 512


def _edge_body(xh_ref, ps_ref, pd_ref, shr_ref, hsel_ref,
               srcc_ref, dstc_ref, dstr_ref, out_ref, acc_ref):
    t = pl.program_id(0)
    nt = pl.num_programs(0)
    n = xh_ref.shape[0]

    src_col = srcc_ref[...].reshape(ETILE, 1)
    dst_col = dstc_ref[...].reshape(ETILE, 1)
    dst_row = dstr_ref[...].reshape(1, ETILE)
    lane_e = jax.lax.broadcasted_iota(jnp.int32, (ETILE, n), 1)
    oh_src = (lane_e == src_col).astype(jnp.bfloat16)
    oh_dst = (lane_e == dst_col).astype(jnp.bfloat16)

    a = (jnp.dot(oh_src, ps_ref[...], preferred_element_type=jnp.float32)
         + jnp.dot(oh_dst, pd_ref[...], preferred_element_type=jnp.float32))
    a = jnp.where(a > 0, a, NEG_SLOPE * a)
    lane = jax.lax.broadcasted_iota(jnp.int32, (ETILE, 128), 1)
    ex = jnp.where(lane < H, jnp.exp(a - shr_ref[...]), 0.0)
    ex_full = jnp.dot(ex.astype(jnp.bfloat16), hsel_ref[...],
                      preferred_element_type=jnp.float32)
    g = jnp.dot(oh_src, xh_ref[...],
                preferred_element_type=jnp.float32)
    msg = (g * ex_full).astype(jnp.bfloat16)
    pay = jnp.concatenate([msg, ex.astype(jnp.bfloat16)], axis=1)
    oh_dst_t = (jax.lax.broadcasted_iota(jnp.int32, (n, ETILE), 0)
                == dst_row).astype(jnp.bfloat16)
    contrib = jnp.dot(oh_dst_t, pay, preferred_element_type=jnp.float32)
    acc = jnp.where(t == 0, contrib, acc_ref[...] + contrib)
    acc_ref[...] = acc

    @pl.when(t == nt - 1)
    def _finish():
        lane_n = jax.lax.broadcasted_iota(jnp.int32, (n, 128), 1)
        a_self = ps_ref[...].astype(jnp.float32) + pd_ref[...].astype(jnp.float32)
        a_self = jnp.where(a_self > 0, a_self, NEG_SLOPE * a_self)
        ex_self = jnp.where(lane_n < H, jnp.exp(a_self - shr_ref[...]), 0.0)
        exs_full = jnp.dot(ex_self.astype(jnp.bfloat16), hsel_ref[...],
                           preferred_element_type=jnp.float32)
        m_self = exs_full * xh_ref[...].astype(jnp.float32)
        dfull = jnp.dot((acc[:, D:] + ex_self).astype(jnp.bfloat16),
                        hsel_ref[...],
                        preferred_element_type=jnp.float32)
        out_ref[...] = (acc[:, :D] + m_self) / (dfull + 1e-16)


def _gat_edge_pallas(xh_bf, pack_s, pack_d, shift_row, hsel, src_col, dst_col,
                     dst_row):
    n = xh_bf.shape[0]
    ntiles = src_col.shape[0]
    return pl.pallas_call(
        _edge_body,
        grid=(ntiles,),
        in_specs=[
            _full((n, D)), _full((n, 128)), _full((n, 128)),
            _full((1, 128)), _full((128, D)),
            pl.BlockSpec((1, ETILE, 1), lambda t: (t, 0, 0)),
            pl.BlockSpec((1, ETILE, 1), lambda t: (t, 0, 0)),
            pl.BlockSpec((1, 1, ETILE), lambda t: (t, 0, 0)),
        ],
        out_specs=_full((n, D)),
        out_shape=jax.ShapeDtypeStruct((n, D), jnp.float32),
        scratch_shapes=[
            pltpu.VMEM((n, D + 128), jnp.float32),
        ],
    )(xh_bf, pack_s, pack_d, shift_row, hsel, src_col, dst_col, dst_row)


def _gat_edge(xh, asd, src_col, dst_col, dst_row, hsel, lane4):
    n = xh.shape[0]
    a_max = jnp.max(asd[:, 0:2 * H], axis=0)
    c = a_max[0:H] + a_max[H:2 * H]
    c = jnp.where(c > 0, c, NEG_SLOPE * c)
    shift_row = jnp.zeros((1, 128), jnp.float32).at[0, 0:H].set(c)
    pack_s = jnp.where(lane4, asd, 0.0).astype(jnp.bfloat16)
    pack_d = jnp.where(lane4, jnp.roll(asd, -H, axis=1), 0.0).astype(jnp.bfloat16)
    xh_bf = xh.astype(jnp.bfloat16)
    return _gat_edge_pallas(xh_bf, pack_s, pack_d, shift_row, hsel,
                            src_col, dst_col, dst_row)


def _encoder(x, src_col, dst_col, dst_row, hsel, lane4, bias0, b_gat_row,
             W_gat, A_pack):
    bias = bias0
    for _ in range(NUM_LAYERS):
        xh, asd = _gat_node(x, bias, W_gat, A_pack)
        x = _gat_edge(xh, asd, src_col, dst_col, dst_row, hsel, lane4)
        bias = b_gat_row
    return x


def kernel(x_p, x_h, edge_index_p, edge_index_h, x_p_batch, x_h_batch, label,
           emb, W_gat, att_src, att_dst, b_gat, Wq, Wk, Wv, W1, b1, W2, b2,
           Wc1, bc1, Wc2, bc2):
    n = x_p.shape[0]

    rows = jnp.arange(D)
    head = rows // OUT
    A_pack = jnp.zeros((D, 128), jnp.float32)
    A_pack = A_pack.at[rows, head].set(att_src.reshape(-1))
    A_pack = A_pack.at[rows, head + H].set(att_dst.reshape(-1))
    zero_row = jnp.zeros((1, D), jnp.float32)
    b_gat_row = b_gat.reshape(1, D)
    b1_row = b1.reshape(1, D)
    b2_row = b2.reshape(1, D)
    bc1_row = bc1.reshape(1, D)
    Wc2p = jnp.zeros((D, 128), jnp.float32).at[:, 0:C].set(Wc2)
    bc2p = jnp.zeros((1, 128), jnp.float32).at[0, 0:C].set(bc2)
    label_p = jnp.zeros((B, 128), jnp.float32).at[:, 0:C].set(label.reshape(-1, C))
    segh_row = x_h_batch.reshape(1, n).astype(jnp.int32)
    segh_col = x_h_batch.reshape(n, 1).astype(jnp.int32)
    segp_row = x_p_batch.reshape(1, n).astype(jnp.int32)

    w_cat = jnp.take(emb, jnp.concatenate([x_p, x_h]), axis=0)
    src = jnp.concatenate([edge_index_p[0].astype(jnp.int32),
                           edge_index_h[0].astype(jnp.int32) + n])
    dst = jnp.concatenate([edge_index_p[1].astype(jnp.int32),
                           edge_index_h[1].astype(jnp.int32) + n])
    ntiles = src.shape[0] // ETILE
    src_col = src.reshape(ntiles, ETILE, 1)
    dst_col = dst.reshape(ntiles, ETILE, 1)
    dst_row = dst.reshape(ntiles, 1, ETILE)
    lane128 = jnp.arange(128)[None, :]
    lane4 = lane128 < H
    hsel = (jnp.arange(D)[None, :] // OUT == jnp.arange(128)[:, None]
            ).astype(jnp.bfloat16)
    x_enc = _encoder(w_cat, src_col, dst_col, dst_row, hsel, lane4,
                     zero_row, b_gat_row, W_gat, A_pack)
    p_raw = x_enc[:n]
    h_raw = x_enc[n:]

    Q, K, V = _qkv(h_raw, p_raw, b_gat_row, Wq, Wk, Wv)
    p_hat = _attention(Q, K, V, segh_col, segp_row)
    cmp_r = _ffn(p_hat, h_raw, b_gat_row, W1, b1_row, W2, b2_row)
    logits_p, loss = _final(cmp_r, V, segh_row, segh_col, segp_row,
                            W1, b1_row, W2, b2_row, Wc1, bc1_row, Wc2p, bc2p,
                            label_p)
    logits = logits_p[:, 0:C]
    return (loss.reshape(()), logits)

# --- scband reference (transcript-rebuilt; emitter-appended) ---
"""Pipeline reference for scband-syn-nli-model-59785944760595 (READ-ONLY COPY).

The authoritative reference and input builder live on the scoring server;
editing this copy changes nothing except your own understanding.
"""

import jax, jax.numpy as jnp
import numpy as np
import math

D = 256
H = 4
OUT = D // H
NUM_LAYERS = 2
C = 3
V = 100000
B = 16
N = 4096
E = 8192
NEG_SLOPE = 0.2


def setup_inputs(seed: int = 0):
    key = jax.random.key(seed)
    ks = jax.random.split(key, 24)
    s = 1.0 / math.sqrt(D)
    inp = {}
    inp["x_p"] = jax.random.randint(ks[0], (N,), 0, V)
    inp["x_h"] = jax.random.randint(ks[1], (N,), 0, V)
    inp["edge_index_p"] = jax.random.randint(ks[2], (2, E), 0, N)
    inp["edge_index_h"] = jax.random.randint(ks[3], (2, E), 0, N)
    inp["x_p_batch"] = jnp.sort(jax.random.randint(ks[4], (N,), 0, B))
    inp["x_h_batch"] = jnp.sort(jax.random.randint(ks[5], (N,), 0, B))
    inp["label"] = jax.random.uniform(ks[6], (B, C), dtype=jnp.float32)
    inp["emb"] = jax.random.normal(ks[7], (V, D), dtype=jnp.float32) * 0.02
    inp["W_gat"] = jax.random.normal(ks[8], (D, D), dtype=jnp.float32) * s
    inp["att_src"] = jax.random.normal(ks[9], (H, OUT), dtype=jnp.float32) * s
    inp["att_dst"] = jax.random.normal(ks[10], (H, OUT), dtype=jnp.float32) * s
    inp["b_gat"] = jnp.zeros((D,), jnp.float32)
    inp["Wq"] = jax.random.normal(ks[11], (D, D), dtype=jnp.float32) * s
    inp["Wk"] = jax.random.normal(ks[12], (D, D), dtype=jnp.float32) * s
    inp["Wv"] = jax.random.normal(ks[13], (D, D), dtype=jnp.float32) * s
    inp["W1"] = jax.random.normal(ks[14], (4 * D, D), dtype=jnp.float32) * (1.0 / math.sqrt(4 * D))
    inp["b1"] = jnp.zeros((D,), jnp.float32)
    inp["W2"] = jax.random.normal(ks[15], (D, D), dtype=jnp.float32) * s
    inp["b2"] = jnp.zeros((D,), jnp.float32)
    inp["Wc1"] = jax.random.normal(ks[16], (2 * D, D), dtype=jnp.float32) * (1.0 / math.sqrt(2 * D))
    inp["bc1"] = jnp.zeros((D,), jnp.float32)
    inp["Wc2"] = jax.random.normal(ks[17], (D, C), dtype=jnp.float32) * s
    inp["bc2"] = jnp.zeros((C,), jnp.float32)
    return inp


def gat_conv(x, src, dst, W_gat, att_src, att_dst, b_gat):
    n = x.shape[0]
    xh = (x @ W_gat).reshape(n, H, OUT)
    a_s = (xh * att_src[None, :, :]).sum(-1)
    a_d = (xh * att_dst[None, :, :]).sum(-1)
    alpha = a_s[src] + a_d[dst]
    alpha = jnp.where(alpha > 0, alpha, NEG_SLOPE * alpha)
    amax = jax.lax.stop_gradient(jax.ops.segment_max(alpha, dst, num_segments=n))
    ex = jnp.exp(alpha - amax[dst])
    denom = jax.ops.segment_sum(ex, dst, num_segments=n)
    att = ex / (denom[dst] + 1e-16)
    msg = xh[src] * att[:, :, None]
    out = jax.ops.segment_sum(msg, dst, num_segments=n)
    return out.reshape(n, D) + b_gat


def encoder(x, edge_index, W_gat, att_src, att_dst, b_gat):
    n = x.shape[0]
    loops = jnp.arange(n, dtype=edge_index.dtype)
    src = jnp.concatenate([edge_index[0], loops])
    dst = jnp.concatenate([edge_index[1], loops])
    for _ in range(NUM_LAYERS):
        x = gat_conv(x, src, dst, W_gat, att_src, att_dst, b_gat)
    return x


def get_batch_tensor(p, seg):
    n = seg.shape[0]
    bsz = B
    counts = jnp.bincount(seg, length=bsz)
    max_len = counts.max()
    offsets = jnp.concatenate([jnp.zeros((1,), counts.dtype), jnp.cumsum(counts)[:-1]])
    pos = jnp.arange(n) - offsets[seg]
    bp = jnp.zeros((bsz, n, p.shape[1]), p.dtype).at[seg, pos].set(p)
    mask = jnp.zeros((bsz, n), jnp.int32).at[seg, pos].set(1)
    return bp, mask, max_len


def cross_att(h1, h2, mask, Wq, Wk, Wv, len2):
    Q = h1 @ Wq
    K = h2 @ Wk
    Vv = h2 @ Wv
    Escore = jnp.einsum('bnd,bmd->bnm', Q, K)
    Escore = jnp.where(mask == 0, -1e10, Escore)
    colv = jnp.arange(h2.shape[1]) < len2
    Escore = jnp.where(colv[None, None, :], Escore, -jnp.inf)
    A = jax.nn.softmax(Escore / math.sqrt(D), axis=2)
    return jnp.einsum('bnm,bmd->bnd', A, Vv)


def reference(x_p, x_h, edge_index_p, edge_index_h, x_p_batch, x_h_batch, label, emb, W_gat, att_src, att_dst, b_gat, Wq, Wk, Wv, W1, b1, W2, b2, Wc1, bc1, Wc2, bc2):
    w_p = jnp.take(emb, x_p, axis=0)
    w_h = jnp.take(emb, x_h, axis=0)
    p = encoder(w_p, edge_index_p, W_gat, att_src, att_dst, b_gat)
    h = encoder(w_h, edge_index_h, W_gat, att_src, att_dst, b_gat)
    bp, maskp, len_p = get_batch_tensor(p, x_p_batch)
    bh, maskh, len_h = get_batch_tensor(h, x_h_batch)
    maskhp = jnp.einsum('bn,bm->bmn', maskp, maskh)
    p_hat = cross_att(bh, bp, maskhp, Wq, Wk, Wv, len_p)
    cat = jnp.concatenate([p_hat, bh, p_hat - bh, p_hat * bh], axis=2)
    cmp_hp = jnp.maximum(cat @ W1 + b1, 0.0) @ W2 + b2
    rowv = (jnp.arange(bh.shape[1]) < len_h)[None, :, None]
    sent_max = jnp.max(jnp.where(rowv, cmp_hp, -jnp.inf), axis=1)
    sent_mean = jnp.sum(jnp.where(rowv, cmp_hp, 0.0), axis=1) / len_h.astype(cmp_hp.dtype)
    feats = jnp.concatenate([sent_max, sent_mean], axis=1)
    logits = jnp.maximum(feats @ Wc1 + bc1, 0.0) @ Wc2 + bc2
    z = label.reshape(-1, C)
    loss = jnp.mean(jnp.maximum(logits, 0.0) - logits * z + jnp.log1p(jnp.exp(-jnp.abs(logits))))
    return (loss, logits)

if __name__ == "__main__":
    import jax
    _d = setup_inputs()
    print(jax.jit(kernel)(*tuple(_d.values())))

</pallas_src>

<mosaic_0001>
module attributes {stable_mosaic.version = 14 : i64} {
  func.func @_gat_node_body(%arg0: i32, %arg1: memref<512x256xf32, #tpu.memory_space<vmem>>, %arg2: memref<1x256xf32, #tpu.memory_space<vmem>>, %arg3: memref<256x256xf32, #tpu.memory_space<vmem>>, %arg4: memref<256x128xf32, #tpu.memory_space<vmem>>, %arg5: memref<512x256xf32, #tpu.memory_space<vmem>>, %arg6: memref<512x128xf32, #tpu.memory_space<vmem>>) attributes {dimension_semantics = [#tpu.dimension_semantics<arbitrary>], iteration_bounds = array<i64: 16>, scalar_prefetch = 0 : i64, scratch_operands = 0 : i64, tpu.core_type = #tpu.core_type<tc>, window_params = [{transform_indices = @transform_0, window_bounds = array<i64: 512, 256>}, {pipeline_mode = #tpu.pipeline_mode<synchronous>, transform_indices = @transform_1, window_bounds = array<i64: 1, 256>}, {pipeline_mode = #tpu.pipeline_mode<synchronous>, transform_indices = @transform_2, window_bounds = array<i64: 256, 256>}, {pipeline_mode = #tpu.pipeline_mode<synchronous>, transform_indices = @transform_3, window_bounds = array<i64: 256, 128>}, {transform_indices = @transform_4, window_bounds = array<i64: 512, 256>}, {transform_indices = @transform_5, window_bounds = array<i64: 512, 128>}]} {
    %get3A = arith.constant 0 : index
    %get3A_0 = arith.constant 0 : index
    %get3A_1 = vector.load %arg1[%get3A, %get3A_0] : memref<512x256xf32, #tpu.memory_space<vmem>>, vector<512x256xf32>
    %get3A_2 = arith.constant 0 : index
    %get3A_3 = arith.constant 0 : index
    %get3A_4 = vector.load %arg2[%get3A_2, %get3A_3] : memref<1x256xf32, #tpu.memory_space<vmem>>, vector<1x256xf32>
    %add3A = vector.broadcast %get3A_4 : vector<1x256xf32> to vector<512x256xf32>
    %add3A_5 = arith.addf %get3A_1, %add3A : vector<512x256xf32>
    %get3A_6 = arith.constant 0 : index
    %get3A_7 = arith.constant 0 : index
    %get3A_8 = vector.load %arg3[%get3A_6, %get3A_7] : memref<256x256xf32, #tpu.memory_space<vmem>>, vector<256x256xf32>
    %dot_general3A = arith.constant dense<0.000000e+00> : vector<512x256xf32>
    %dot_general3A_9 = tpu.matmul %add3A_5, %get3A_8, %dot_general3A {dimension_numbers = #tpu.dot_dimension_numbers<[1], [0], [0], [1], [0, 0, 1, 1], [], []>, transpose_lhs_hint = false} : vector<512x256xf32>, vector<256x256xf32>, vector<512x256xf32> -> vector<512x256xf32>
    %swap3A = arith.constant 0 : index
    %swap3A_10 = arith.constant 0 : index
    %swap3A_11 = vector.load %arg5[%swap3A, %swap3A_10] : memref<512x256xf32, #tpu.memory_space<vmem>>, vector<512x256xf32>
    tpu.vector_store %arg5[%swap3A, %swap3A_10], %dot_general3A_9 {strides = array<i32>} : memref<512x256xf32, #tpu.memory_space<vmem>>, vector<512x256xf32>,
    %get3A_12 = arith.constant 0 : index
    %get3A_13 = arith.constant 0 : index
    %get3A_14 = vector.load %arg4[%get3A_12, %get3A_13] : memref<256x128xf32, #tpu.memory_space<vmem>>, vector<256x128xf32>
    %dot_general3A_15 = arith.constant dense<0.000000e+00> : vector<512x128xf32>
    %dot_general3A_16 = tpu.matmul %dot_general3A_9, %get3A_14, %dot_general3A_15 {dimension_numbers = #tpu.dot_dimension_numbers<[1], [0], [0], [1], [0, 0, 1, 1], [], []>, transpose_lhs_hint = false} : vector<512x256xf32>, vector<256x128xf32>, vector<512x128xf32> -> vector<512x128xf32>
    %swap3A_17 = arith.constant 0 : index
    %swap3A_18 = arith.constant 0 : index
    %swap3A_19 = vector.load %arg6[%swap3A_17, %swap3A_18] : memref<512x128xf32, #tpu.memory_space<vmem>>, vector<512x128xf32>
    tpu.vector_store %arg6[%swap3A_17, %swap3A_18], %dot_general3A_16 {strides = array<i32>} : memref<512x128xf32, #tpu.memory_space<vmem>>, vector<512x128xf32>,
    return
  }
  func.func @transform_0(%arg0: i32) -> (i32, i32) {
    %c0_i32 = arith.constant 0 : i32
    %c0_i32_0 = arith.constant 0 : i32
    return %arg0, %c0_i32 : i32, i32
  }
  func.func @transform_1(%arg0: i32) -> (i32, i32) {
    %c0_i32 = arith.constant 0 : i32
    %c0_i32_0 = arith.constant 0 : i32
    %c0_i32_1 = arith.constant 0 : i32
    return %c0_i32, %c0_i32_0 : i32, i32
  }
  func.func @transform_2(%arg0: i32) -> (i32, i32) {
    %c0_i32 = arith.constant 0 : i32
    %c0_i32_0 = arith.constant 0 : i32
    %c0_i32_1 = arith.constant 0 : i32
    return %c0_i32, %c0_i32_0 : i32, i32
  }
  func.func @transform_3(%arg0: i32) -> (i32, i32) {
    %c0_i32 = arith.constant 0 : i32
    %c0_i32_0 = arith.constant 0 : i32
    %c0_i32_1 = arith.constant 0 : i32
    return %c0_i32, %c0_i32_0 : i32, i32
  }
  func.func @transform_4(%arg0: i32) -> (i32, i32) {
    %c0_i32 = arith.constant 0 : i32
    %c0_i32_0 = arith.constant 0 : i32
    return %arg0, %c0_i32 : i32, i32
  }
  func.func @transform_5(%arg0: i32) -> (i32, i32) {
    %c0_i32 = arith.constant 0 : i32
    %c0_i32_0 = arith.constant 0 : i32
    return %arg0, %c0_i32 : i32, i32
  }
}

module attributes {stable_mosaic.version = 14 : i64} {
  func.func @_edge_body(%arg0: i32, %arg1: memref<8192x256xbf16, #tpu.memory_space<vmem>>, %arg2: memref<8192x128xbf16, #tpu.memory_space<vmem>>, %arg3: memref<8192x128xbf16, #tpu.memory_space<vmem>>, %arg4: memref<1x128xf32, #tpu.memory_space<vmem>>, %arg5: memref<128x256xbf16, #tpu.memory_space<vmem>>, %arg6: memref<1x512x1xi32, #tpu.memory_space<vmem>>, %arg7: memref<1x512x1xi32, #tpu.memory_space<vmem>>, %arg8: memref<1x1x512xi32, #tpu.memory_space<vmem>>, %arg9: memref<8192x256xf32, #tpu.memory_space<vmem>>, %arg10: memref<8192x384xf32, #tpu.memory_space<vmem>>) attributes {dimension_semantics = [#tpu.dimension_semantics<arbitrary>], iteration_bounds = array<i64: 32>, scalar_prefetch = 0 : i64, scratch_operands = 1 : i64, tpu.core_type = #tpu.core_type<tc>, window_params = [{pipeline_mode = #tpu.pipeline_mode<synchronous>, transform_indices = @transform_0, window_bounds = array<i64: 8192, 256>}, {pipeline_mode = #tpu.pipeline_mode<synchronous>, transform_indices = @transform_1, window_bounds = array<i64: 8192, 128>}, {pipeline_mode = #tpu.pipeline_mode<synchronous>, transform_indices = @transform_2, window_bounds = array<i64: 8192, 128>}, {pipeline_mode = #tpu.pipeline_mode<synchronous>, transform_indices = @transform_3, window_bounds = array<i64: 1, 128>}, {pipeline_mode = #tpu.pipeline_mode<synchronous>, transform_indices = @transform_4, window_bounds = array<i64: 128, 256>}, {transform_indices = @transform_5, window_bounds = array<i64: 1, 512, 1>}, {transform_indices = @transform_6, window_bounds = array<i64: 1, 512, 1>}, {transform_indices = @transform_7, window_bounds = array<i64: 1, 1, 512>}, {pipeline_mode = #tpu.pipeline_mode<synchronous>, transform_indices = @transform_8, window_bounds = array<i64: 8192, 256>}]} {
    %get3A = arith.constant 0 : index
    %get3A_0 = arith.constant 0 : index
    %get3A_1 = arith.constant 0 : index
    %get3A_2 = vector.load %arg6[%get3A, %get3A_0, %get3A_1] : memref<1x512x1xi32, #tpu.memory_space<vmem>>, vector<1x512x1xi32>
    %reshape3A = vector.shape_cast %get3A_2 : vector<1x512x1xi32> to vector<512x1xi32>
    %get3A_3 = arith.constant 0 : index
    %get3A_4 = arith.constant 0 : index
    %get3A_5 = arith.constant 0 : index
    %get3A_6 = vector.load %arg7[%get3A_3, %get3A_4, %get3A_5] : memref<1x512x1xi32, #tpu.memory_space<vmem>>, vector<1x512x1xi32>
    %reshape3A_7 = vector.shape_cast %get3A_6 : vector<1x512x1xi32> to vector<512x1xi32>
    %get3A_8 = arith.constant 0 : index
    %get3A_9 = arith.constant 0 : index
    %get3A_10 = arith.constant 0 : index
    %get3A_11 = vector.load %arg8[%get3A_8, %get3A_9, %get3A_10] : memref<1x1x512xi32, #tpu.memory_space<vmem>>, vector<1x1x512xi32>
    %reshape3A_12 = vector.shape_cast %get3A_11 : vector<1x1x512xi32> to vector<1x512xi32>
    %iota3A = tpu.iota {dimensions = array<i32: 1>} : vector<512x8192xi32>
    %eq3A = vector.broadcast %reshape3A : vector<512x1xi32> to vector<512x8192xi32>
    %eq3A_13 = arith.cmpi eq, %iota3A, %eq3A : vector<512x8192xi32>
    %convert_element_type3A = arith.extui %eq3A_13 : vector<512x8192xi1> to vector<512x8192xi32>
    %convert_element_type3A_14 = arith.sitofp %convert_element_type3A : vector<512x8192xi32> to vector<512x8192xf32>
    %convert_element_type3A_15 = arith.truncf %convert_element_type3A_14 : vector<512x8192xf32> to vector<512x8192xbf16>
    %eq3A_16 = vector.broadcast %reshape3A_7 : vector<512x1xi32> to vector<512x8192xi32>
    %eq3A_17 = arith.cmpi eq, %iota3A, %eq3A_16 : vector<512x8192xi32>
    %convert_element_type3A_18 = arith.extui %eq3A_17 : vector<512x8192xi1> to vector<512x8192xi32>
    %convert_element_type3A_19 = arith.sitofp %convert_element_type3A_18 : vector<512x8192xi32> to vector<512x8192xf32>
    %convert_element_type3A_20 = arith.truncf %convert_element_type3A_19 : vector<512x8192xf32> to vector<512x8192xbf16>
    %get3A_21 = arith.constant 0 : index
    %get3A_22 = arith.constant 0 : index
    %get3A_23 = vector.load %arg2[%get3A_21, %get3A_22] : memref<8192x128xbf16, #tpu.memory_space<vmem>>, vector<8192x128xbf16>
    %dot_general3A = arith.constant dense<0.000000e+00> : vector<512x128xf32>
    %dot_general3A_24 = tpu.matmul %convert_element_type3A_15, %get3A_23, %dot_general3A {dimension_numbers = #tpu.dot_dimension_numbers<[1], [0], [0], [1], [0, 0, 1, 1], [], []>, transpose_lhs_hint = false} : vector<512x8192xbf16>, vector<8192x128xbf16>, vector<512x128xf32> -> vector<512x128xf32>
    %get3A_25 = arith.constant 0 : index
    %get3A_26 = arith.constant 0 : index
    %get3A_27 = vector.load %arg3[%get3A_25, %get3A_26] : memref<8192x128xbf16, #tpu.memory_space<vmem>>, vector<8192x128xbf16>
    %dot_general3A_28 = arith.constant dense<0.000000e+00> : vector<512x128xf32>
    %dot_general3A_29 = tpu.matmul %convert_element_type3A_20, %get3A_27, %dot_general3A_28 {dimension_numbers = #tpu.dot_dimension_numbers<[1], [0], [0], [1], [0, 0, 1, 1], [], []>, transpose_lhs_hint = false} : vector<512x8192xbf16>, vector<8192x128xbf16>, vector<512x128xf32> -> vector<512x128xf32>
    %add3A = arith.addf %dot_general3A_24, %dot_general3A_29 : vector<512x128xf32>
    %gt3A = arith.constant 0.000000e+00 : f32
    %gt3A_30 = vector.broadcast %gt3A : f32 to vector<512x128xf32>
    %gt3A_31 = arith.cmpf ogt, %add3A, %gt3A_30 : vector<512x128xf32>
    %mul3A = arith.constant 2.000000e-01 : f32
    %mul3A_32 = vector.broadcast %mul3A : f32 to vector<512x128xf32>
    %mul3A_33 = arith.mulf %mul3A_32, %add3A : vector<512x128xf32>
    %select_n3A = arith.select %gt3A_31, %add3A, %mul3A_33 : vector<512x128xi1>, vector<512x128xf32>
    %iota3A_34 = tpu.iota {dimensions = array<i32: 1>} : vector<512x128xi32>
    %lt3A = arith.constant 4 : i32
    %lt3A_35 = vector.broadcast %lt3A : i32 to vector<512x128xi32>
    %lt3A_36 = arith.cmpi slt, %iota3A_34, %lt3A_35 : vector<512x128xi32>
    %get3A_37 = arith.constant 0 : index
    %get3A_38 = arith.constant 0 : index
    %get3A_39 = vector.load %arg4[%get3A_37, %get3A_38] : memref<1x128xf32, #tpu.memory_space<vmem>>, vector<1x128xf32>
    %sub3A = vector.broadcast %get3A_39 : vector<1x128xf32> to vector<512x128xf32>
    %sub3A_40 = arith.subf %select_n3A, %sub3A : vector<512x128xf32>
    %exp3A = math.exp %sub3A_40 : vector<512x128xf32>
    %jit3A = arith.constant 0.000000e+00 : f32
    %broadcast_in_dim3A = vector.broadcast %jit3A : f32 to vector<512x128xf32>
    %select_n3A_41 = arith.select %lt3A_36, %exp3A, %broadcast_in_dim3A : vector<512x128xi1>, vector<512x128xf32>
    %convert_element_type3A_42 = arith.truncf %select_n3A_41 : vector<512x128xf32> to vector<512x128xbf16>
    %get3A_43 = arith.constant 0 : index
    %get3A_44 = arith.constant 0 : index
    %get3A_45 = vector.load %arg5[%get3A_43, %get3A_44] : memref<128x256xbf16, #tpu.memory_space<vmem>>, vector<128x256xbf16>
    %dot_general3A_46 = arith.constant dense<0.000000e+00> : vector<512x256xf32>
    %dot_general3A_47 = tpu.matmul %convert_element_type3A_42, %get3A_45, %dot_general3A_46 {dimension_numbers = #tpu.dot_dimension_numbers<[1], [0], [0], [1], [0, 0, 1, 1], [], []>, transpose_lhs_hint = false} : vector<512x128xbf16>, vector<128x256xbf16>, vector<512x256xf32> -> vector<512x256xf32>
    %get3A_48 = arith.constant 0 : index
    %get3A_49 = arith.constant 0 : index
    %get3A_50 = vector.load %arg1[%get3A_48, %get3A_49] : memref<8192x256xbf16, #tpu.memory_space<vmem>>, vector<8192x256xbf16>
    %dot_general3A_51 = arith.constant dense<0.000000e+00> : vector<512x256xf32>
    %dot_general3A_52 = tpu.matmul %convert_element_type3A_15, %get3A_50, %dot_general3A_51 {dimension_numbers = #tpu.dot_dimension_numbers<[1], [0], [0], [1], [0, 0, 1, 1], [], []>, transpose_lhs_hint = false} : vector<512x8192xbf16>, vector<8192x256xbf16>, vector<512x256xf32> -> vector<512x256xf32>
    %mul3A_53 = arith.mulf %dot_general3A_52, %dot_general3A_47 : vector<512x256xf32>
    %convert_element_type3A_54 = arith.truncf %mul3A_53 : vector<512x256xf32> to vector<512x256xbf16>
    %convert_element_type3A_55 = arith.truncf %select_n3A_41 : vector<512x128xf32> to vector<512x128xbf16>
    %concatenate3A = tpu.concatenate %convert_element_type3A_54, %convert_element_type3A_55 in 1 : vector<512x256xbf16>, vector<512x128xbf16> -> vector<512x384xbf16>
    %iota3A_56 = tpu.iota {dimensions = array<i32: 0>} : vector<8192x512xi32>
    %eq3A_57 = vector.broadcast %reshape3A_12 : vector<1x512xi32> to vector<8192x512xi32>
    %eq3A_58 = arith.cmpi eq, %iota3A_56, %eq3A_57 : vector<8192x512xi32>
    %convert_element_type3A_59 = arith.extui %eq3A_58 : vector<8192x512xi1> to vector<8192x512xi32>
    %convert_element_type3A_60 = arith.sitofp %convert_element_type3A_59 : vector<8192x512xi32> to vector<8192x512xf32>
    %convert_element_type3A_61 = arith.truncf %convert_element_type3A_60 : vector<8192x512xf32> to vector<8192x512xbf16>
    %dot_general3A_62 = arith.constant dense<0.000000e+00> : vector<8192x384xf32>
    %dot_general3A_63 = tpu.matmul %convert_element_type3A_61, %concatenate3A, %dot_general3A_62 {dimension_numbers = #tpu.dot_dimension_numbers<[1], [0], [0], [1], [0, 0, 1, 1], [], []>, transpose_lhs_hint = false} : vector<8192x512xbf16>, vector<512x384xbf16>, vector<8192x384xf32> -> vector<8192x384xf32>
    %eq3A_64 = arith.constant 0 : i32
    %eq3A_65 = arith.cmpi eq, %arg0, %eq3A_64 : i32
    %get3A_66 = arith.constant 0 : index
    %get3A_67 = arith.constant 0 : index
    %get3A_68 = vector.load %arg10[%get3A_66, %get3A_67] : memref<8192x384xf32, #tpu.memory_space<vmem>>, vector<8192x384xf32>
    %add3A_69 = arith.addf %get3A_68, %dot_general3A_63 : vector<8192x384xf32>
    %select_n3A_70 = arith.select %eq3A_65, %dot_general3A_63, %add3A_69 : vector<8192x384xf32>
    %swap3A = arith.constant 0 : index
    %swap3A_71 = arith.constant 0 : index
    %swap3A_72 = vector.load %arg10[%swap3A, %swap3A_71] : memref<8192x384xf32, #tpu.memory_space<vmem>>, vector<8192x384xf32>
    tpu.vector_store %arg10[%swap3A, %swap3A_71], %select_n3A_70 {strides = array<i32>} : memref<8192x384xf32, #tpu.memory_space<vmem>>, vector<8192x384xf32>,
    %eq3A_73 = arith.constant 31 : i32
    %eq3A_74 = arith.cmpi eq, %arg0, %eq3A_73 : i32
    %convert_element_type3A_75 = arith.extui %eq3A_74 : i1 to i32
    %cond3A = arith.constant 0 : i32
    %cond3A_76 = arith.cmpi ne, %convert_element_type3A_75, %cond3A : i32
    scf.if %cond3A_76 {
      %iota3A_77 = tpu.iota {dimensions = array<i32: 1>} : vector<8192x128xi32>
      %get3A_78 = arith.constant 0 : index
      %get3A_79 = arith.constant 0 : index
      %get3A_80 = vector.load %arg2[%get3A_78, %get3A_79] : memref<8192x128xbf16, #tpu.memory_space<vmem>>, vector<8192x128xbf16>
      %convert_element_type3A_81 = arith.extf %get3A_80 : vector<8192x128xbf16> to vector<8192x128xf32>
      %get3A_82 = arith.constant 0 : index
      %get3A_83 = arith.constant 0 : index
      %get3A_84 = vector.load %arg3[%get3A_82, %get3A_83] : memref<8192x128xbf16, #tpu.memory_space<vmem>>, vector<8192x128xbf16>
      %convert_element_type3A_85 = arith.extf %get3A_84 : vector<8192x128xbf16> to vector<8192x128xf32>
      %add3A_86 = arith.addf %convert_element_type3A_81, %convert_element_type3A_85 : vector<8192x128xf32>
      %gt3A_87 = arith.constant 0.000000e+00 : f32
      %gt3A_88 = vector.broadcast %gt3A_87 : f32 to vector<8192x128xf32>
      %gt3A_89 = arith.cmpf ogt, %add3A_86, %gt3A_88 : vector<8192x128xf32>
      %mul3A_90 = arith.constant 2.000000e-01 : f32
      %mul3A_91 = vector.broadcast %mul3A_90 : f32 to vector<8192x128xf32>
      %mul3A_92 = arith.mulf %mul3A_91, %add3A_86 : vector<8192x128xf32>
      %select_n3A_93 = arith.select %gt3A_89, %add3A_86, %mul3A_92 : vector<8192x128xi1>, vector<8192x128xf32>
      %lt3A_94 = arith.constant 4 : i32
      %lt3A_95 = vector.broadcast %lt3A_94 : i32 to vector<8192x128xi32>
      %lt3A_96 = arith.cmpi slt, %iota3A_77, %lt3A_95 : vector<8192x128xi32>
      %get3A_97 = arith.constant 0 : index
      %get3A_98 = arith.constant 0 : index
      %get3A_99 = vector.load %arg4[%get3A_97, %get3A_98] : memref<1x128xf32, #tpu.memory_space<vmem>>, vector<1x128xf32>
      %sub3A_100 = vector.broadcast %get3A_99 : vector<1x128xf32> to vector<8192x128xf32>
      %sub3A_101 = arith.subf %select_n3A_93, %sub3A_100 : vector<8192x128xf32>
      %exp3A_102 = math.exp %sub3A_101 : vector<8192x128xf32>
      %jit3A_103 = arith.constant 0.000000e+00 : f32
      %broadcast_in_dim3A_104 = vector.broadcast %jit3A_103 : f32 to vector<8192x128xf32>
      %select_n3A_105 = arith.select %lt3A_96, %exp3A_102, %broadcast_in_dim3A_104 : vector<8192x128xi1>, vector<8192x128xf32>
      %convert_element_type3A_106 = arith.truncf %select_n3A_105 : vector<8192x128xf32> to vector<8192x128xbf16>
      %get3A_107 = arith.constant 0 : index
      %get3A_108 = arith.constant 0 : index
      %get3A_109 = vector.load %arg5[%get3A_107, %get3A_108] : memref<128x256xbf16, #tpu.memory_space<vmem>>, vector<128x256xbf16>
      %dot_general3A_110 = arith.constant dense<0.000000e+00> : vector<8192x256xf32>
      %dot_general3A_111 = tpu.matmul %convert_element_type3A_106, %get3A_109, %dot_general3A_110 {dimension_numbers = #tpu.dot_dimension_numbers<[1], [0], [0], [1], [0, 0, 1, 1], [], []>, transpose_lhs_hint = false} : vector<8192x128xbf16>, vector<128x256xbf16>, vector<8192x256xf32> -> vector<8192x256xf32>
      %get3A_112 = arith.constant 0 : index
      %get3A_113 = arith.constant 0 : index
      %get3A_114 = vector.load %arg1[%get3A_112, %get3A_113] : memref<8192x256xbf16, #tpu.memory_space<vmem>>, vector<8192x256xbf16>
      %convert_element_type3A_115 = arith.extf %get3A_114 : vector<8192x256xbf16> to vector<8192x256xf32>
      %mul3A_116 = arith.mulf %dot_general3A_111, %convert_element_type3A_115 : vector<8192x256xf32>
      %slice3A = vector.extract_strided_slice %select_n3A_70 {offsets = [0, 256], sizes = [8192, 128], strides = [1, 1]} : vector<8192x384xf32> to vector<8192x128xf32>
      %add3A_117 = arith.addf %slice3A, %select_n3A_105 : vector<8192x128xf32>
      %convert_element_type3A_118 = arith.truncf %add3A_117 : vector<8192x128xf32> to vector<8192x128xbf16>
      %get3A_119 = arith.constant 0 : index
      %get3A_120 = arith.constant 0 : index
      %get3A_121 = vector.load %arg5[%get3A_119, %get3A_120] : memref<128x256xbf16, #tpu.memory_space<vmem>>, vector<128x256xbf16>
      %dot_general3A_122 = arith.constant dense<0.000000e+00> : vector<8192x256xf32>
      %dot_general3A_123 = tpu.matmul %convert_element_type3A_118, %get3A_121, %dot_general3A_122 {dimension_numbers = #tpu.dot_dimension_numbers<[1], [0], [0], [1], [0, 0, 1, 1], [], []>, transpose_lhs_hint = false} : vector<8192x128xbf16>, vector<128x256xbf16>, vector<8192x256xf32> -> vector<8192x256xf32>
      %slice3A_124 = vector.extract_strided_slice %select_n3A_70 {offsets = [0, 0], sizes = [8192, 256], strides = [1, 1]} : vector<8192x384xf32> to vector<8192x256xf32>
      %add3A_125 = arith.addf %slice3A_124, %mul3A_116 : vector<8192x256xf32>
      %add3A_126 = arith.constant 1.000000e-16 : f32
      %add3A_127 = vector.broadcast %add3A_126 : f32 to vector<8192x256xf32>
      %add3A_128 = arith.addf %dot_general3A_123, %add3A_127 : vector<8192x256xf32>
      %div3A = arith.divf %add3A_125, %add3A_128 : vector<8192x256xf32>
      %swap3A_129 = arith.constant 0 : index
      %swap3A_130 = arith.constant 0 : index
      %swap3A_131 = vector.load %arg9[%swap3A_129, %swap3A_130] : memref<8192x256xf32, #tpu.memory_space<vmem>>, vector<8192x256xf32>
      tpu.vector_store %arg9[%swap3A_129, %swap3A_130], %div3A {strides = array<i32>} : memref<8192x256xf32, #tpu.memory_space<vmem>>, vector<8192x256xf32>,
    } else {
    }
    return
  }
  func.func @transform_0(%arg0: i32) -> (i32, i32) {
    %c0_i32 = arith.constant 0 : i32
    %c0_i32_0 = arith.constant 0 : i32
    %c0_i32_1 = arith.constant 0 : i32
    return %c0_i32, %c0_i32_0 : i32, i32
  }
  func.func @transform_1(%arg0: i32) -> (i32, i32) {
    %c0_i32 = arith.constant 0 : i32
    %c0_i32_0 = arith.constant 0 : i32
    %c0_i32_1 = arith.constant 0 : i32
    return %c0_i32, %c0_i32_0 : i32, i32
  }
  func.func @transform_2(%arg0: i32) -> (i32, i32) {
    %c0_i32 = arith.constant 0 : i32
    %c0_i32_0 = arith.constant 0 : i32
    %c0_i32_1 = arith.constant 0 : i32
    return %c0_i32, %c0_i32_0 : i32, i32
  }
  func.func @transform_3(%arg0: i32) -> (i32, i32) {
    %c0_i32 = arith.constant 0 : i32
    %c0_i32_0 = arith.constant 0 : i32
    %c0_i32_1 = arith.constant 0 : i32
    return %c0_i32, %c0_i32_0 : i32, i32
  }
  func.func @transform_4(%arg0: i32) -> (i32, i32) {
    %c0_i32 = arith.constant 0 : i32
    %c0_i32_0 = arith.constant 0 : i32
    %c0_i32_1 = arith.constant 0 : i32
    return %c0_i32, %c0_i32_0 : i32, i32
  }
  func.func @transform_5(%arg0: i32) -> (i32, i32, i32) {
    %c0_i32 = arith.constant 0 : i32
    %c0_i32_0 = arith.constant 0 : i32
    %c0_i32_1 = arith.constant 0 : i32
    return %arg0, %c0_i32, %c0_i32_0 : i32, i32, i32
  }
  func.func @transform_6(%arg0: i32) -> (i32, i32, i32) {
    %c0_i32 = arith.constant 0 : i32
    %c0_i32_0 = arith.constant 0 : i32
    %c0_i32_1 = arith.constant 0 : i32
    return %arg0, %c0_i32, %c0_i32_0 : i32, i32, i32
  }
  func.func @transform_7(%arg0: i32) -> (i32, i32, i32) {
    %c0_i32 = arith.constant 0 : i32
    %c0_i32_0 = arith.constant 0 : i32
    %c0_i32_1 = arith.constant 0 : i32
    return %arg0, %c0_i32, %c0_i32_0 : i32, i32, i32
  }
  func.func @transform_8(%arg0: i32) -> (i32, i32) {
    %c0_i32 = arith.constant 0 : i32
    %c0_i32_0 = arith.constant 0 : i32
    %c0_i32_1 = arith.constant 0 : i32
    return %c0_i32, %c0_i32_0 : i32, i32
  }
}

module attributes {stable_mosaic.version = 14 : i64} {
  func.func @_qkv_body(%arg0: i32, %arg1: memref<512x256xf32, #tpu.memory_space<vmem>>, %arg2: memref<512x256xf32, #tpu.memory_space<vmem>>, %arg3: memref<1x256xf32, #tpu.memory_space<vmem>>, %arg4: memref<256x256xf32, #tpu.memory_space<vmem>>, %arg5: memref<256x256xf32, #tpu.memory_space<vmem>>, %arg6: memref<256x256xf32, #tpu.memory_space<vmem>>, %arg7: memref<512x256xf32, #tpu.memory_space<vmem>>, %arg8: memref<512x256xf32, #tpu.memory_space<vmem>>, %arg9: memref<512x256xf32, #tpu.memory_space<vmem>>) attributes {dimension_semantics = [#tpu.dimension_semantics<arbitrary>], iteration_bounds = array<i64: 8>, scalar_prefetch = 0 : i64, scratch_operands = 0 : i64, tpu.core_type = #tpu.core_type<tc>, window_params = [{transform_indices = @transform_0, window_bounds = array<i64: 512, 256>}, {transform_indices = @transform_1, window_bounds = array<i64: 512, 256>}, {pipeline_mode = #tpu.pipeline_mode<synchronous>, transform_indices = @transform_2, window_bounds = array<i64: 1, 256>}, {pipeline_mode = #tpu.pipeline_mode<synchronous>, transform_indices = @transform_3, window_bounds = array<i64: 256, 256>}, {pipeline_mode = #tpu.pipeline_mode<synchronous>, transform_indices = @transform_4, window_bounds = array<i64: 256, 256>}, {pipeline_mode = #tpu.pipeline_mode<synchronous>, transform_indices = @transform_5, window_bounds = array<i64: 256, 256>}, {transform_indices = @transform_6, window_bounds = array<i64: 512, 256>}, {transform_indices = @transform_7, window_bounds = array<i64: 512, 256>}, {transform_indices = @transform_8, window_bounds = array<i64: 512, 256>}]} {
    %get3A = arith.constant 0 : index
    %get3A_0 = arith.constant 0 : index
    %get3A_1 = vector.load %arg1[%get3A, %get3A_0] : memref<512x256xf32, #tpu.memory_space<vmem>>, vector<512x256xf32>
    %get3A_2 = arith.constant 0 : index
    %get3A_3 = arith.constant 0 : index
    %get3A_4 = vector.load %arg3[%get3A_2, %get3A_3] : memref<1x256xf32, #tpu.memory_space<vmem>>, vector<1x256xf32>
    %add3A = vector.broadcast %get3A_4 : vector<1x256xf32> to vector<512x256xf32>
    %add3A_5 = arith.addf %get3A_1, %add3A : vector<512x256xf32>
    %get3A_6 = arith.constant 0 : index
    %get3A_7 = arith.constant 0 : index
    %get3A_8 = vector.load %arg2[%get3A_6, %get3A_7] : memref<512x256xf32, #tpu.memory_space<vmem>>, vector<512x256xf32>
    %get3A_9 = arith.constant 0 : index
    %get3A_10 = arith.constant 0 : index
    %get3A_11 = vector.load %arg3[%get3A_9, %get3A_10] : memref<1x256xf32, #tpu.memory_space<vmem>>, vector<1x256xf32>
    %add3A_12 = vector.broadcast %get3A_11 : vector<1x256xf32> to vector<512x256xf32>
    %add3A_13 = arith.addf %get3A_8, %add3A_12 : vector<512x256xf32>
    %get3A_14 = arith.constant 0 : index
    %get3A_15 = arith.constant 0 : index
    %get3A_16 = vector.load %arg4[%get3A_14, %get3A_15] : memref<256x256xf32, #tpu.memory_space<vmem>>, vector<256x256xf32>
    %dot_general3A = arith.constant dense<0.000000e+00> : vector<512x256xf32>
    %dot_general3A_17 = tpu.matmul %add3A_5, %get3A_16, %dot_general3A {dimension_numbers = #tpu.dot_dimension_numbers<[1], [0], [0], [1], [0, 0, 1, 1], [], []>, transpose_lhs_hint = false} : vector<512x256xf32>, vector<256x256xf32>, vector<512x256xf32> -> vector<512x256xf32>
    %swap3A = arith.constant 0 : index
    %swap3A_18 = arith.constant 0 : index
    %swap3A_19 = vector.load %arg7[%swap3A, %swap3A_18] : memref<512x256xf32, #tpu.memory_space<vmem>>, vector<512x256xf32>
    tpu.vector_store %arg7[%swap3A, %swap3A_18], %dot_general3A_17 {strides = array<i32>} : memref<512x256xf32, #tpu.memory_space<vmem>>, vector<512x256xf32>,
    %get3A_20 = arith.constant 0 : index
    %get3A_21 = arith.constant 0 : index
    %get3A_22 = vector.load %arg5[%get3A_20, %get3A_21] : memref<256x256xf32, #tpu.memory_space<vmem>>, vector<256x256xf32>
    %dot_general3A_23 = arith.constant dense<0.000000e+00> : vector<512x256xf32>
    %dot_general3A_24 = tpu.matmul %add3A_13, %get3A_22, %dot_general3A_23 {dimension_numbers = #tpu.dot_dimension_numbers<[1], [0], [0], [1], [0, 0, 1, 1], [], []>, transpose_lhs_hint = false} : vector<512x256xf32>, vector<256x256xf32>, vector<512x256xf32> -> vector<512x256xf32>
    %swap3A_25 = arith.constant 0 : index
    %swap3A_26 = arith.constant 0 : index
    %swap3A_27 = vector.load %arg8[%swap3A_25, %swap3A_26] : memref<512x256xf32, #tpu.memory_space<vmem>>, vector<512x256xf32>
    tpu.vector_store %arg8[%swap3A_25, %swap3A_26], %dot_general3A_24 {strides = array<i32>} : memref<512x256xf32, #tpu.memory_space<vmem>>, vector<512x256xf32>,
    %get3A_28 = arith.constant 0 : index
    %get3A_29 = arith.constant 0 : index
    %get3A_30 = vector.load %arg6[%get3A_28, %get3A_29] : memref<256x256xf32, #tpu.memory_space<vmem>>, vector<256x256xf32>
    %dot_general3A_31 = arith.constant dense<0.000000e+00> : vector<512x256xf32>
    %dot_general3A_32 = tpu.matmul %add3A_13, %get3A_30, %dot_general3A_31 {dimension_numbers = #tpu.dot_dimension_numbers<[1], [0], [0], [1], [0, 0, 1, 1], [], []>, transpose_lhs_hint = false} : vector<512x256xf32>, vector<256x256xf32>, vector<512x256xf32> -> vector<512x256xf32>
    %swap3A_33 = arith.constant 0 : index
    %swap3A_34 = arith.constant 0 : index
    %swap3A_35 = vector.load %arg9[%swap3A_33, %swap3A_34] : memref<512x256xf32, #tpu.memory_space<vmem>>, vector<512x256xf32>
    tpu.vector_store %arg9[%swap3A_33, %swap3A_34], %dot_general3A_32 {strides = array<i32>} : memref<512x256xf32, #tpu.memory_space<vmem>>, vector<512x256xf32>,
    return
  }
  func.func @transform_0(%arg0: i32) -> (i32, i32) {
    %c0_i32 = arith.constant 0 : i32
    %c0_i32_0 = arith.constant 0 : i32
    return %arg0, %c0_i32 : i32, i32
  }
  func.func @transform_1(%arg0: i32) -> (i32, i32) {
    %c0_i32 = arith.constant 0 : i32
    %c0_i32_0 = arith.constant 0 : i32
    return %arg0, %c0_i32 : i32, i32
  }
  func.func @transform_2(%arg0: i32) -> (i32, i32) {
    %c0_i32 = arith.constant 0 : i32
    %c0_i32_0 = arith.constant 0 : i32
    %c0_i32_1 = arith.constant 0 : i32
    return %c0_i32, %c0_i32_0 : i32, i32
  }
  func.func @transform_3(%arg0: i32) -> (i32, i32) {
    %c0_i32 = arith.constant 0 : i32
    %c0_i32_0 = arith.constant 0 : i32
    %c0_i32_1 = arith.constant 0 : i32
    return %c0_i32, %c0_i32_0 : i32, i32
  }
  func.func @transform_4(%arg0: i32) -> (i32, i32) {
    %c0_i32 = arith.constant 0 : i32
    %c0_i32_0 = arith.constant 0 : i32
    %c0_i32_1 = arith.constant 0 : i32
    return %c0_i32, %c0_i32_0 : i32, i32
  }
  func.func @transform_5(%arg0: i32) -> (i32, i32) {
    %c0_i32 = arith.constant 0 : i32
    %c0_i32_0 = arith.constant 0 : i32
    %c0_i32_1 = arith.constant 0 : i32
    return %c0_i32, %c0_i32_0 : i32, i32
  }
  func.func @transform_6(%arg0: i32) -> (i32, i32) {
    %c0_i32 = arith.constant 0 : i32
    %c0_i32_0 = arith.constant 0 : i32
    return %arg0, %c0_i32 : i32, i32
  }
  func.func @transform_7(%arg0: i32) -> (i32, i32) {
    %c0_i32 = arith.constant 0 : i32
    %c0_i32_0 = arith.constant 0 : i32
    return %arg0, %c0_i32 : i32, i32
  }
  func.func @transform_8(%arg0: i32) -> (i32, i32) {
    %c0_i32 = arith.constant 0 : i32
    %c0_i32_0 = arith.constant 0 : i32
    return %arg0, %c0_i32 : i32, i32
  }
}

module attributes {stable_mosaic.version = 14 : i64} {
  func.func @_attn_body(%arg0: i32, %arg1: memref<256x256xf32, #tpu.memory_space<vmem>>, %arg2: memref<4096x256xf32, #tpu.memory_space<vmem>>, %arg3: memref<4096x256xf32, #tpu.memory_space<vmem>>, %arg4: memref<256x1xi32, #tpu.memory_space<vmem>>, %arg5: memref<1x4096xi32, #tpu.memory_space<vmem>>, %arg6: memref<256x256xf32, #tpu.memory_space<vmem>>) attributes {dimension_semantics = [#tpu.dimension_semantics<arbitrary>], iteration_bounds = array<i64: 16>, scalar_prefetch = 0 : i64, scratch_operands = 0 : i64, tpu.core_type = #tpu.core_type<tc>, window_params = [{transform_indices = @transform_0, window_bounds = array<i64: 256, 256>}, {pipeline_mode = #tpu.pipeline_mode<synchronous>, transform_indices = @transform_1, window_bounds = array<i64: 4096, 256>}, {pipeline_mode = #tpu.pipeline_mode<synchronous>, transform_indices = @transform_2, window_bounds = array<i64: 4096, 256>}, {transform_indices = @transform_3, window_bounds = array<i64: 256, 1>}, {pipeline_mode = #tpu.pipeline_mode<synchronous>, transform_indices = @transform_4, window_bounds = array<i64: 1, 4096>}, {transform_indices = @transform_5, window_bounds = array<i64: 256, 256>}]} {
    %get3A = arith.constant 0 : index
    %get3A_0 = arith.constant 0 : index
    %get3A_1 = vector.load %arg1[%get3A, %get3A_0] : memref<256x256xf32, #tpu.memory_space<vmem>>, vector<256x256xf32>
    %get3A_2 = arith.constant 0 : index
    %get3A_3 = arith.constant 0 : index
    %get3A_4 = vector.load %arg2[%get3A_2, %get3A_3] : memref<4096x256xf32, #tpu.memory_space<vmem>>, vector<4096x256xf32>
    %get3A_5 = arith.constant 0 : index
    %get3A_6 = arith.constant 0 : index
    %get3A_7 = vector.load %arg3[%get3A_5, %get3A_6] : memref<4096x256xf32, #tpu.memory_space<vmem>>, vector<4096x256xf32>
    %dot_general3A = arith.constant dense<0.000000e+00> : vector<256x4096xf32>
    %dot_general3A_8 = tpu.matmul %get3A_1, %get3A_4, %dot_general3A {dimension_numbers = #tpu.dot_dimension_numbers<[1], [1], [0], [0], [0, 0, 1, 0], [], []>, transpose_lhs_hint = false} : vector<256x256xf32>, vector<4096x256xf32>, vector<256x4096xf32> -> vector<256x4096xf32>
    %get3A_9 = arith.constant 0 : index
    %get3A_10 = arith.constant 0 : index
    %get3A_11 = vector.load %arg4[%get3A_9, %get3A_10] : memref<256x1xi32, #tpu.memory_space<vmem>>, vector<256x1xi32>
    %get3A_12 = arith.constant 0 : index
    %get3A_13 = arith.constant 0 : index
    %get3A_14 = vector.load %arg5[%get3A_12, %get3A_13] : memref<1x4096xi32, #tpu.memory_space<vmem>>, vector<1x4096xi32>
    %eq3A = vector.broadcast %get3A_11 : vector<256x1xi32> to vector<256x4096xi32>
    %eq3A_15 = vector.broadcast %get3A_14 : vector<1x4096xi32> to vector<256x4096xi32>
    %eq3A_16 = arith.cmpi eq, %eq3A, %eq3A_15 : vector<256x4096xi32>
    %jit3A = arith.constant 0xFF800000 : f32
    %broadcast_in_dim3A = vector.broadcast %jit3A : f32 to vector<256x4096xf32>
    %select_n3A = arith.select %eq3A_16, %dot_general3A_8, %broadcast_in_dim3A : vector<256x4096xi1>, vector<256x4096xf32>
    %reduce_max3A = arith.constant dense<0xFF800000> : vector<256xf32>
    %reduce_max3A_17 = vector.multi_reduction <maximumf>, %select_n3A, %reduce_max3A [1] : vector<256x4096xf32> to vector<256xf32>
    %broadcast_in_dim3A_18 = vector.shape_cast %reduce_max3A_17 : vector<256xf32> to vector<256x1xf32>
    %eq3A_19 = arith.constant 0xFF800000 : f32
    %eq3A_20 = vector.broadcast %eq3A_19 : f32 to vector<256x1xf32>
    %eq3A_21 = arith.cmpf oeq, %broadcast_in_dim3A_18, %eq3A_20 : vector<256x1xf32>
    %jit3A_22 = arith.constant 0.000000e+00 : f32
    %broadcast_in_dim3A_23 = vector.broadcast %jit3A_22 : f32 to vector<256x1xf32>
    %select_n3A_24 = arith.select %eq3A_21, %broadcast_in_dim3A_23, %broadcast_in_dim3A_18 : vector<256x1xi1>, vector<256x1xf32>
    %sub3A = vector.broadcast %select_n3A_24 : vector<256x1xf32> to vector<256x4096xf32>
    %sub3A_25 = arith.subf %select_n3A, %sub3A : vector<256x4096xf32>
    %mul3A = arith.constant 6.250000e-02 : f32
    %mul3A_26 = vector.broadcast %mul3A : f32 to vector<256x4096xf32>
    %mul3A_27 = arith.mulf %sub3A_25, %mul3A_26 : vector<256x4096xf32>
    %exp3A = math.exp %mul3A_27 : vector<256x4096xf32>
    %reduce_sum3A = arith.constant dense<0.000000e+00> : vector<256xf32>
    %reduce_sum3A_28 = vector.multi_reduction <add>, %exp3A, %reduce_sum3A [1] : vector<256x4096xf32> to vector<256xf32>
    %broadcast_in_dim3A_29 = vector.shape_cast %reduce_sum3A_28 : vector<256xf32> to vector<256x1xf32>
    %dot_general3A_30 = arith.constant dense<0.000000e+00> : vector<256x256xf32>
    %dot_general3A_31 = tpu.matmul %exp3A, %get3A_7, %dot_general3A_30 {dimension_numbers = #tpu.dot_dimension_numbers<[1], [0], [0], [1], [0, 0, 1, 1], [], []>, transpose_lhs_hint = false} : vector<256x4096xf32>, vector<4096x256xf32>, vector<256x256xf32> -> vector<256x256xf32>
    %eq3A_32 = arith.constant 0.000000e+00 : f32
    %eq3A_33 = vector.broadcast %eq3A_32 : f32 to vector<256x1xf32>
    %eq3A_34 = arith.cmpf oeq, %broadcast_in_dim3A_29, %eq3A_33 : vector<256x1xf32>
    %jit3A_35 = arith.constant 1.000000e+00 : f32
    %broadcast_in_dim3A_36 = vector.broadcast %jit3A_35 : f32 to vector<256x1xf32>
    %select_n3A_37 = arith.select %eq3A_34, %broadcast_in_dim3A_36, %broadcast_in_dim3A_29 : vector<256x1xi1>, vector<256x1xf32>
    %div3A = vector.broadcast %select_n3A_37 : vector<256x1xf32> to vector<256x256xf32>
    %div3A_38 = arith.divf %dot_general3A_31, %div3A : vector<256x256xf32>
    %swap3A = arith.constant 0 : index
    %swap3A_39 = arith.constant 0 : index
    %swap3A_40 = vector.load %arg6[%swap3A, %swap3A_39] : memref<256x256xf32, #tpu.memory_space<vmem>>, vector<256x256xf32>
    tpu.vector_store %arg6[%swap3A, %swap3A_39], %div3A_38 {strides = array<i32>} : memref<256x256xf32, #tpu.memory_space<vmem>>, vector<256x256xf32>,
    return
  }
  func.func @transform_0(%arg0: i32) -> (i32, i32) {
    %c0_i32 = arith.constant 0 : i32
    %c0_i32_0 = arith.constant 0 : i32
    return %arg0, %c0_i32 : i32, i32
  }
  func.func @transform_1(%arg0: i32) -> (i32, i32) {
    %c0_i32 = arith.constant 0 : i32
    %c0_i32_0 = arith.constant 0 : i32
    %c0_i32_1 = arith.constant 0 : i32
    return %c0_i32, %c0_i32_0 : i32, i32
  }
  func.func @transform_2(%arg0: i32) -> (i32, i32) {
    %c0_i32 = arith.constant 0 : i32
    %c0_i32_0 = arith.constant 0 : i32
    %c0_i32_1 = arith.constant 0 : i32
    return %c0_i32, %c0_i32_0 : i32, i32
  }
  func.func @transform_3(%arg0: i32) -> (i32, i32) {
    %c0_i32 = arith.constant 0 : i32
    %c0_i32_0 = arith.constant 0 : i32
    return %arg0, %c0_i32 : i32, i32
  }
  func.func @transform_4(%arg0: i32) -> (i32, i32) {
    %c0_i32 = arith.constant 0 : i32
    %c0_i32_0 = arith.constant 0 : i32
    %c0_i32_1 = arith.constant 0 : i32
    return %c0_i32, %c0_i32_0 : i32, i32
  }
  func.func @transform_5(%arg0: i32) -> (i32, i32) {
    %c0_i32 = arith.constant 0 : i32
    %c0_i32_0 = arith.constant 0 : i32
    return %arg0, %c0_i32 : i32, i32
  }
}

module attributes {stable_mosaic.version = 14 : i64} {
  func.func @_ffn_body(%arg0: i32, %arg1: memref<512x256xf32, #tpu.memory_space<vmem>>, %arg2: memref<512x256xf32, #tpu.memory_space<vmem>>, %arg3: memref<1x256xf32, #tpu.memory_space<vmem>>, %arg4: memref<1024x256xf32, #tpu.memory_space<vmem>>, %arg5: memref<1x256xf32, #tpu.memory_space<vmem>>, %arg6: memref<256x256xf32, #tpu.memory_space<vmem>>, %arg7: memref<1x256xf32, #tpu.memory_space<vmem>>, %arg8: memref<512x256xf32, #tpu.memory_space<vmem>>) attributes {dimension_semantics = [#tpu.dimension_semantics<arbitrary>], iteration_bounds = array<i64: 8>, scalar_prefetch = 0 : i64, scratch_operands = 0 : i64, tpu.core_type = #tpu.core_type<tc>, window_params = [{transform_indices = @transform_0, window_bounds = array<i64: 512, 256>}, {transform_indices = @transform_1, window_bounds = array<i64: 512, 256>}, {pipeline_mode = #tpu.pipeline_mode<synchronous>, transform_indices = @transform_2, window_bounds = array<i64: 1, 256>}, {pipeline_mode = #tpu.pipeline_mode<synchronous>, transform_indices = @transform_3, window_bounds = array<i64: 1024, 256>}, {pipeline_mode = #tpu.pipeline_mode<synchronous>, transform_indices = @transform_4, window_bounds = array<i64: 1, 256>}, {pipeline_mode = #tpu.pipeline_mode<synchronous>, transform_indices = @transform_5, window_bounds = array<i64: 256, 256>}, {pipeline_mode = #tpu.pipeline_mode<synchronous>, transform_indices = @transform_6, window_bounds = array<i64: 1, 256>}, {transform_indices = @transform_7, window_bounds = array<i64: 512, 256>}]} {
    %get3A = arith.constant 0 : index
    %get3A_0 = arith.constant 0 : index
    %get3A_1 = vector.load %arg1[%get3A, %get3A_0] : memref<512x256xf32, #tpu.memory_space<vmem>>, vector<512x256xf32>
    %get3A_2 = arith.constant 0 : index
    %get3A_3 = arith.constant 0 : index
    %get3A_4 = vector.load %arg2[%get3A_2, %get3A_3] : memref<512x256xf32, #tpu.memory_space<vmem>>, vector<512x256xf32>
    %get3A_5 = arith.constant 0 : index
    %get3A_6 = arith.constant 0 : index
    %get3A_7 = vector.load %arg3[%get3A_5, %get3A_6] : memref<1x256xf32, #tpu.memory_space<vmem>>, vector<1x256xf32>
    %add3A = vector.broadcast %get3A_7 : vector<1x256xf32> to vector<512x256xf32>
    %add3A_8 = arith.addf %get3A_4, %add3A : vector<512x256xf32>
    %get3A_9 = arith.constant 0 : index
    %get3A_10 = arith.constant 0 : index
    %get3A_11 = vector.load %arg4[%get3A_9, %get3A_10] : memref<1024x256xf32, #tpu.memory_space<vmem>>, vector<1024x256xf32>
    %slice3A = vector.extract_strided_slice %get3A_11 {offsets = [0, 0], sizes = [256, 256], strides = [1, 1]} : vector<1024x256xf32> to vector<256x256xf32>
    %dot_general3A = arith.constant dense<0.000000e+00> : vector<512x256xf32>
    %dot_general3A_12 = tpu.matmul %get3A_1, %slice3A, %dot_general3A {dimension_numbers = #tpu.dot_dimension_numbers<[1], [0], [0], [1], [0, 0, 1, 1], [], []>, transpose_lhs_hint = false} : vector<512x256xf32>, vector<256x256xf32>, vector<512x256xf32> -> vector<512x256xf32>
    %slice3A_13 = vector.extract_strided_slice %get3A_11 {offsets = [256, 0], sizes = [256, 256], strides = [1, 1]} : vector<1024x256xf32> to vector<256x256xf32>
    %dot_general3A_14 = arith.constant dense<0.000000e+00> : vector<512x256xf32>
    %dot_general3A_15 = tpu.matmul %add3A_8, %slice3A_13, %dot_general3A_14 {dimension_numbers = #tpu.dot_dimension_numbers<[1], [0], [0], [1], [0, 0, 1, 1], [], []>, transpose_lhs_hint = false} : vector<512x256xf32>, vector<256x256xf32>, vector<512x256xf32> -> vector<512x256xf32>
    %add3A_16 = arith.addf %dot_general3A_12, %dot_general3A_15 : vector<512x256xf32>
    %sub3A = arith.subf %get3A_1, %add3A_8 : vector<512x256xf32>
    %slice3A_17 = vector.extract_strided_slice %get3A_11 {offsets = [512, 0], sizes = [256, 256], strides = [1, 1]} : vector<1024x256xf32> to vector<256x256xf32>
    %dot_general3A_18 = arith.constant dense<0.000000e+00> : vector<512x256xf32>
    %dot_general3A_19 = tpu.matmul %sub3A, %slice3A_17, %dot_general3A_18 {dimension_numbers = #tpu.dot_dimension_numbers<[1], [0], [0], [1], [0, 0, 1, 1], [], []>, transpose_lhs_hint = false} : vector<512x256xf32>, vector<256x256xf32>, vector<512x256xf32> -> vector<512x256xf32>
    %add3A_20 = arith.addf %add3A_16, %dot_general3A_19 : vector<512x256xf32>
    %mul3A = arith.mulf %get3A_1, %add3A_8 : vector<512x256xf32>
    %slice3A_21 = vector.extract_strided_slice %get3A_11 {offsets = [768, 0], sizes = [256, 256], strides = [1, 1]} : vector<1024x256xf32> to vector<256x256xf32>
    %dot_general3A_22 = arith.constant dense<0.000000e+00> : vector<512x256xf32>
    %dot_general3A_23 = tpu.matmul %mul3A, %slice3A_21, %dot_general3A_22 {dimension_numbers = #tpu.dot_dimension_numbers<[1], [0], [0], [1], [0, 0, 1, 1], [], []>, transpose_lhs_hint = false} : vector<512x256xf32>, vector<256x256xf32>, vector<512x256xf32> -> vector<512x256xf32>
    %add3A_24 = arith.addf %add3A_20, %dot_general3A_23 : vector<512x256xf32>
    %get3A_25 = arith.constant 0 : index
    %get3A_26 = arith.constant 0 : index
    %get3A_27 = vector.load %arg5[%get3A_25, %get3A_26] : memref<1x256xf32, #tpu.memory_space<vmem>>, vector<1x256xf32>
    %add3A_28 = vector.broadcast %get3A_27 : vector<1x256xf32> to vector<512x256xf32>
    %add3A_29 = arith.addf %add3A_24, %add3A_28 : vector<512x256xf32>
    %max3A = arith.constant 0.000000e+00 : f32
    %max3A_30 = vector.broadcast %max3A : f32 to vector<512x256xf32>
    %max3A_31 = arith.maximumf %add3A_29, %max3A_30 : vector<512x256xf32>
    %get3A_32 = arith.constant 0 : index
    %get3A_33 = arith.constant 0 : index
    %get3A_34 = vector.load %arg6[%get3A_32, %get3A_33] : memref<256x256xf32, #tpu.memory_space<vmem>>, vector<256x256xf32>
    %dot_general3A_35 = arith.constant dense<0.000000e+00> : vector<512x256xf32>
    %dot_general3A_36 = tpu.matmul %max3A_31, %get3A_34, %dot_general3A_35 {dimension_numbers = #tpu.dot_dimension_numbers<[1], [0], [0], [1], [0, 0, 1, 1], [], []>, transpose_lhs_hint = false} : vector<512x256xf32>, vector<256x256xf32>, vector<512x256xf32> -> vector<512x256xf32>
    %get3A_37 = arith.constant 0 : index
    %get3A_38 = arith.constant 0 : index
    %get3A_39 = vector.load %arg7[%get3A_37, %get3A_38] : memref<1x256xf32, #tpu.memory_space<vmem>>, vector<1x256xf32>
    %add3A_40 = vector.broadcast %get3A_39 : vector<1x256xf32> to vector<512x256xf32>
    %add3A_41 = arith.addf %dot_general3A_36, %add3A_40 : vector<512x256xf32>
    %swap3A = arith.constant 0 : index
    %swap3A_42 = arith.constant 0 : index
    %swap3A_43 = vector.load %arg8[%swap3A, %swap3A_42] : memref<512x256xf32, #tpu.memory_space<vmem>>, vector<512x256xf32>
    tpu.vector_store %arg8[%swap3A, %swap3A_42], %add3A_41 {strides = array<i32>} : memref<512x256xf32, #tpu.memory_space<vmem>>, vector<512x256xf32>,
    return
  }
  func.func @transform_0(%arg0: i32) -> (i32, i32) {
    %c0_i32 = arith.constant 0 : i32
    %c0_i32_0 = arith.constant 0 : i32
    return %arg0, %c0_i32 : i32, i32
  }
  func.func @transform_1(%arg0: i32) -> (i32, i32) {
    %c0_i32 = arith.constant 0 : i32
    %c0_i32_0 = arith.constant 0 : i32
    return %arg0, %c0_i32 : i32, i32
  }
  func.func @transform_2(%arg0: i32) -> (i32, i32) {
    %c0_i32 = arith.constant 0 : i32
    %c0_i32_0 = arith.constant 0 : i32
    %c0_i32_1 = arith.constant 0 : i32
    return %c0_i32, %c0_i32_0 : i32, i32
  }
  func.func @transform_3(%arg0: i32) -> (i32, i32) {
    %c0_i32 = arith.constant 0 : i32
    %c0_i32_0 = arith.constant 0 : i32
    %c0_i32_1 = arith.constant 0 : i32
    return %c0_i32, %c0_i32_0 : i32, i32
  }
  func.func @transform_4(%arg0: i32) -> (i32, i32) {
    %c0_i32 = arith.constant 0 : i32
    %c0_i32_0 = arith.constant 0 : i32
    %c0_i32_1 = arith.constant 0 : i32
    return %c0_i32, %c0_i32_0 : i32, i32
  }
  func.func @transform_5(%arg0: i32) -> (i32, i32) {
    %c0_i32 = arith.constant 0 : i32
    %c0_i32_0 = arith.constant 0 : i32
    %c0_i32_1 = arith.constant 0 : i32
    return %c0_i32, %c0_i32_0 : i32, i32
  }
  func.func @transform_6(%arg0: i32) -> (i32, i32) {
    %c0_i32 = arith.constant 0 : i32
    %c0_i32_0 = arith.constant 0 : i32
    %c0_i32_1 = arith.constant 0 : i32
    return %c0_i32, %c0_i32_0 : i32, i32
  }
  func.func @transform_7(%arg0: i32) -> (i32, i32) {
    %c0_i32 = arith.constant 0 : i32
    %c0_i32_0 = arith.constant 0 : i32
    return %arg0, %c0_i32 : i32, i32
  }
}

module attributes {stable_mosaic.version = 14 : i64} {
  func.func @_final_body(%arg0: i32, %arg1: memref<4096x256xf32, #tpu.memory_space<vmem>>, %arg2: memref<4096x256xf32, #tpu.memory_space<vmem>>, %arg3: memref<1x4096xi32, #tpu.memory_space<vmem>>, %arg4: memref<4096x1xi32, #tpu.memory_space<vmem>>, %arg5: memref<1x4096xi32, #tpu.memory_space<vmem>>, %arg6: memref<1024x256xf32, #tpu.memory_space<vmem>>, %arg7: memref<1x256xf32, #tpu.memory_space<vmem>>, %arg8: memref<256x256xf32, #tpu.memory_space<vmem>>, %arg9: memref<1x256xf32, #tpu.memory_space<vmem>>, %arg10: memref<512x256xf32, #tpu.memory_space<vmem>>, %arg11: memref<1x256xf32, #tpu.memory_space<vmem>>, %arg12: memref<256x128xf32, #tpu.memory_space<vmem>>, %arg13: memref<1x128xf32, #tpu.memory_space<vmem>>, %arg14: memref<16x128xf32, #tpu.memory_space<vmem>>, %arg15: memref<16x128xf32, #tpu.memory_space<vmem>>, %arg16: memref<1x1xf32, #tpu.memory_space<vmem>>) attributes {dimension_semantics = [#tpu.dimension_semantics<arbitrary>], iteration_bounds = array<i64: 1>, scalar_prefetch = 0 : i64, scratch_operands = 0 : i64, tpu.core_type = #tpu.core_type<tc>, window_params = [{pipeline_mode = #tpu.pipeline_mode<synchronous>, transform_indices = @transform_0, window_bounds = array<i64: 4096, 256>}, {pipeline_mode = #tpu.pipeline_mode<synchronous>, transform_indices = @transform_1, window_bounds = array<i64: 4096, 256>}, {pipeline_mode = #tpu.pipeline_mode<synchronous>, transform_indices = @transform_2, window_bounds = array<i64: 1, 4096>}, {pipeline_mode = #tpu.pipeline_mode<synchronous>, transform_indices = @transform_3, window_bounds = array<i64: 4096, 1>}, {pipeline_mode = #tpu.pipeline_mode<synchronous>, transform_indices = @transform_4, window_bounds = array<i64: 1, 4096>}, {pipeline_mode = #tpu.pipeline_mode<synchronous>, transform_indices = @transform_5, window_bounds = array<i64: 1024, 256>}, {pipeline_mode = #tpu.pipeline_mode<synchronous>, transform_indices = @transform_6, window_bounds = array<i64: 1, 256>}, {pipeline_mode = #tpu.pipeline_mode<synchronous>, transform_indices = @transform_7, window_bounds = array<i64: 256, 256>}, {pipeline_mode = #tpu.pipeline_mode<synchronous>, transform_indices = @transform_8, window_bounds = array<i64: 1, 256>}, {pipeline_mode = #tpu.pipeline_mode<synchronous>, transform_indices = @transform_9, window_bounds = array<i64: 512, 256>}, {pipeline_mode = #tpu.pipeline_mode<synchronous>, transform_indices = @transform_10, window_bounds = array<i64: 1, 256>}, {pipeline_mode = #tpu.pipeline_mode<synchronous>, transform_indices = @transform_11, window_bounds = array<i64: 256, 128>}, {pipeline_mode = #tpu.pipeline_mode<synchronous>, transform_indices = @transform_12, window_bounds = array<i64: 1, 128>}, {pipeline_mode = #tpu.pipeline_mode<synchronous>, transform_indices = @transform_13, window_bounds = array<i64: 16, 128>}, {pipeline_mode = #tpu.pipeline_mode<synchronous>, transform_indices = @transform_14, window_bounds = array<i64: 16, 128>}, {pipeline_mode = #tpu.pipeline_mode<synchronous>, transform_indices = @transform_15, window_bounds = array<i64: 1, 1>}]} {
    %get3A = arith.constant 0 : index
    %get3A_0 = arith.constant 0 : index
    %get3A_1 = vector.load %arg1[%get3A, %get3A_0] : memref<4096x256xf32, #tpu.memory_space<vmem>>, vector<4096x256xf32>
    %get3A_2 = arith.constant 0 : index
    %get3A_3 = arith.constant 0 : index
    %get3A_4 = vector.load %arg2[%get3A_2, %get3A_3] : memref<4096x256xf32, #tpu.memory_space<vmem>>, vector<4096x256xf32>
    %get3A_5 = arith.constant 0 : index
    %get3A_6 = arith.constant 0 : index
    %get3A_7 = vector.load %arg3[%get3A_5, %get3A_6] : memref<1x4096xi32, #tpu.memory_space<vmem>>, vector<1x4096xi32>
    %get3A_8 = arith.constant 0 : index
    %get3A_9 = arith.constant 0 : index
    %get3A_10 = vector.load %arg5[%get3A_8, %get3A_9] : memref<1x4096xi32, #tpu.memory_space<vmem>>, vector<1x4096xi32>
    %iota3A = tpu.iota {dimensions = array<i32: 0>} : vector<16x4096xi32>
    %eq3A = vector.broadcast %get3A_7 : vector<1x4096xi32> to vector<16x4096xi32>
    %eq3A_11 = arith.cmpi eq, %iota3A, %eq3A : vector<16x4096xi32>
    %convert_element_type3A = arith.extui %eq3A_11 : vector<16x4096xi1> to vector<16x4096xi32>
    %convert_element_type3A_12 = arith.sitofp %convert_element_type3A : vector<16x4096xi32> to vector<16x4096xf32>
    %eq3A_13 = vector.broadcast %get3A_10 : vector<1x4096xi32> to vector<16x4096xi32>
    %eq3A_14 = arith.cmpi eq, %iota3A, %eq3A_13 : vector<16x4096xi32>
    %convert_element_type3A_15 = arith.extui %eq3A_14 : vector<16x4096xi1> to vector<16x4096xi32>
    %convert_element_type3A_16 = arith.sitofp %convert_element_type3A_15 : vector<16x4096xi32> to vector<16x4096xf32>
    %reduce_sum3A = arith.constant dense<0.000000e+00> : vector<16xf32>
    %reduce_sum3A_17 = vector.multi_reduction <add>, %convert_element_type3A_12, %reduce_sum3A [1] : vector<16x4096xf32> to vector<16xf32>
    %broadcast_in_dim3A = vector.shape_cast %reduce_sum3A_17 : vector<16xf32> to vector<16x1xf32>
    %reduce_sum3A_18 = arith.constant dense<0.000000e+00> : vector<16xf32>
    %reduce_sum3A_19 = vector.multi_reduction <add>, %convert_element_type3A_16, %reduce_sum3A_18 [1] : vector<16x4096xf32> to vector<16xf32>
    %broadcast_in_dim3A_20 = vector.shape_cast %reduce_sum3A_19 : vector<16xf32> to vector<16x1xf32>
    %reduce_max3A = vector.shape_cast %broadcast_in_dim3A : vector<16x1xf32> to vector<1x16x1xf32>
    %reduce_max3A_21 = arith.constant dense<0xFF800000> : vector<1xf32>
    %reduce_max3A_22 = vector.multi_reduction <maximumf>, %reduce_max3A, %reduce_max3A_21 [1, 2] : vector<1x16x1xf32> to vector<1xf32>
    %reduce_max3A_23 = vector.shape_cast %reduce_max3A_22 : vector<1xf32> to vector<1x1x1xf32>
    %reduce_max3A_24 = vector.extract %reduce_max3A_23[0, 0, 0] : f32 from vector<1x1x1xf32>
    %reduce_max3A_25 = vector.shape_cast %broadcast_in_dim3A_20 : vector<16x1xf32> to vector<1x16x1xf32>
    %reduce_max3A_26 = arith.constant dense<0xFF800000> : vector<1xf32>
    %reduce_max3A_27 = vector.multi_reduction <maximumf>, %reduce_max3A_25, %reduce_max3A_26 [1, 2] : vector<1x16x1xf32> to vector<1xf32>
    %reduce_max3A_28 = vector.shape_cast %reduce_max3A_27 : vector<1xf32> to vector<1x1x1xf32>
    %reduce_max3A_29 = vector.extract %reduce_max3A_28[0, 0, 0] : f32 from vector<1x1x1xf32>
    %dot_general3A = arith.constant dense<0.000000e+00> : vector<16x256xf32>
    %dot_general3A_30 = tpu.matmul %convert_element_type3A_16, %get3A_4, %dot_general3A {dimension_numbers = #tpu.dot_dimension_numbers<[1], [0], [0], [1], [0, 0, 1, 1], [], []>, transpose_lhs_hint = false} : vector<16x4096xf32>, vector<4096x256xf32>, vector<16x256xf32> -> vector<16x256xf32>
    %div3A = vector.broadcast %reduce_max3A_29 : f32 to vector<16x256xf32>
    %div3A_31 = arith.divf %dot_general3A_30, %div3A : vector<16x256xf32>
    %get3A_32 = arith.constant 0 : index
    %get3A_33 = arith.constant 0 : index
    %get3A_34 = vector.load %arg6[%get3A_32, %get3A_33] : memref<1024x256xf32, #tpu.memory_space<vmem>>, vector<1024x256xf32>
    %slice3A = vector.extract_strided_slice %get3A_34 {offsets = [0, 0], sizes = [256, 256], strides = [1, 1]} : vector<1024x256xf32> to vector<256x256xf32>
    %slice3A_35 = vector.extract_strided_slice %get3A_34 {offsets = [512, 0], sizes = [256, 256], strides = [1, 1]} : vector<1024x256xf32> to vector<256x256xf32>
    %add3A = arith.addf %slice3A, %slice3A_35 : vector<256x256xf32>
    %dot_general3A_36 = arith.constant dense<0.000000e+00> : vector<16x256xf32>
    %dot_general3A_37 = tpu.matmul %div3A_31, %add3A, %dot_general3A_36 {dimension_numbers = #tpu.dot_dimension_numbers<[1], [0], [0], [1], [0, 0, 1, 1], [], []>, transpose_lhs_hint = false} : vector<16x256xf32>, vector<256x256xf32>, vector<16x256xf32> -> vector<16x256xf32>
    %get3A_38 = arith.constant 0 : index
    %get3A_39 = arith.constant 0 : index
    %get3A_40 = vector.load %arg7[%get3A_38, %get3A_39] : memref<1x256xf32, #tpu.memory_space<vmem>>, vector<1x256xf32>
    %add3A_41 = vector.broadcast %get3A_40 : vector<1x256xf32> to vector<16x256xf32>
    %add3A_42 = arith.addf %dot_general3A_37, %add3A_41 : vector<16x256xf32>
    %max3A = arith.constant 0.000000e+00 : f32
    %max3A_43 = vector.broadcast %max3A : f32 to vector<16x256xf32>
    %max3A_44 = arith.maximumf %add3A_42, %max3A_43 : vector<16x256xf32>
    %get3A_45 = arith.constant 0 : index
    %get3A_46 = arith.constant 0 : index
    %get3A_47 = vector.load %arg8[%get3A_45, %get3A_46] : memref<256x256xf32, #tpu.memory_space<vmem>>, vector<256x256xf32>
    %dot_general3A_48 = arith.constant dense<0.000000e+00> : vector<16x256xf32>
    %dot_general3A_49 = tpu.matmul %max3A_44, %get3A_47, %dot_general3A_48 {dimension_numbers = #tpu.dot_dimension_numbers<[1], [0], [0], [1], [0, 0, 1, 1], [], []>, transpose_lhs_hint = false} : vector<16x256xf32>, vector<256x256xf32>, vector<16x256xf32> -> vector<16x256xf32>
    %get3A_50 = arith.constant 0 : index
    %get3A_51 = arith.constant 0 : index
    %get3A_52 = vector.load %arg9[%get3A_50, %get3A_51] : memref<1x256xf32, #tpu.memory_space<vmem>>, vector<1x256xf32>
    %add3A_53 = vector.broadcast %get3A_52 : vector<1x256xf32> to vector<16x256xf32>
    %add3A_54 = arith.addf %dot_general3A_49, %add3A_53 : vector<16x256xf32>
    %dot_general3A_55 = arith.constant dense<0.000000e+00> : vector<16x256xf32>
    %dot_general3A_56 = tpu.matmul %convert_element_type3A_12, %get3A_1, %dot_general3A_55 {dimension_numbers = #tpu.dot_dimension_numbers<[1], [0], [0], [1], [0, 0, 1, 1], [], []>, transpose_lhs_hint = false} : vector<16x4096xf32>, vector<4096x256xf32>, vector<16x256xf32> -> vector<16x256xf32>
    %get3A_57 = arith.constant 0 : index
    %get3A_58 = arith.constant 0 : index
    %get3A_59 = vector.load %arg4[%get3A_57, %get3A_58] : memref<4096x1xi32, #tpu.memory_space<vmem>>, vector<4096x1xi32>
    %eq3A_60 = arith.constant 0 : i32
    %eq3A_61 = vector.broadcast %eq3A_60 : i32 to vector<4096x1xi32>
    %eq3A_62 = arith.cmpi eq, %get3A_59, %eq3A_61 : vector<4096x1xi32>
    %jit3A = arith.constant 0xFF800000 : f32
    %broadcast_in_dim3A_63 = vector.shape_cast %eq3A_62 : vector<4096x1xi1> to vector<4096x1xi1>
    %broadcast_in_dim3A_64 = vector.broadcast %broadcast_in_dim3A_63 : vector<4096x1xi1> to vector<4096x256xi1>
    %broadcast_in_dim3A_65 = vector.broadcast %jit3A : f32 to vector<4096x256xf32>
    %select_n3A = arith.select %broadcast_in_dim3A_64, %get3A_1, %broadcast_in_dim3A_65 : vector<4096x256xi1>, vector<4096x256xf32>
    %reduce_max3A_66 = arith.constant dense<0xFF800000> : vector<256xf32>
    %reduce_max3A_67 = vector.multi_reduction <maximumf>, %select_n3A, %reduce_max3A_66 [0] : vector<4096x256xf32> to vector<256xf32>
    %broadcast_in_dim3A_68 = vector.shape_cast %reduce_max3A_67 : vector<256xf32> to vector<1x256xf32>
    %eq3A_69 = arith.constant 1 : i32
    %eq3A_70 = vector.broadcast %eq3A_69 : i32 to vector<4096x1xi32>
    %eq3A_71 = arith.cmpi eq, %get3A_59, %eq3A_70 : vector<4096x1xi32>
    %jit3A_72 = arith.constant 0xFF800000 : f32
    %broadcast_in_dim3A_73 = vector.shape_cast %eq3A_71 : vector<4096x1xi1> to vector<4096x1xi1>
    %broadcast_in_dim3A_74 = vector.broadcast %broadcast_in_dim3A_73 : vector<4096x1xi1> to vector<4096x256xi1>
    %broadcast_in_dim3A_75 = vector.broadcast %jit3A_72 : f32 to vector<4096x256xf32>
    %select_n3A_76 = arith.select %broadcast_in_dim3A_74, %get3A_1, %broadcast_in_dim3A_75 : vector<4096x256xi1>, vector<4096x256xf32>
    %reduce_max3A_77 = arith.constant dense<0xFF800000> : vector<256xf32>
    %reduce_max3A_78 = vector.multi_reduction <maximumf>, %select_n3A_76, %reduce_max3A_77 [0] : vector<4096x256xf32> to vector<256xf32>
    %broadcast_in_dim3A_79 = vector.shape_cast %reduce_max3A_78 : vector<256xf32> to vector<1x256xf32>
    %eq3A_80 = arith.constant 2 : i32
    %eq3A_81 = vector.broadcast %eq3A_80 : i32 to vector<4096x1xi32>
    %eq3A_82 = arith.cmpi eq, %get3A_59, %eq3A_81 : vector<4096x1xi32>
    %jit3A_83 = arith.constant 0xFF800000 : f32
    %broadcast_in_dim3A_84 = vector.shape_cast %eq3A_82 : vector<4096x1xi1> to vector<4096x1xi1>
    %broadcast_in_dim3A_85 = vector.broadcast %broadcast_in_dim3A_84 : vector<4096x1xi1> to vector<4096x256xi1>
    %broadcast_in_dim3A_86 = vector.broadcast %jit3A_83 : f32 to vector<4096x256xf32>
    %select_n3A_87 = arith.select %broadcast_in_dim3A_85, %get3A_1, %broadcast_in_dim3A_86 : vector<4096x256xi1>, vector<4096x256xf32>
    %reduce_max3A_88 = arith.constant dense<0xFF800000> : vector<256xf32>
    %reduce_max3A_89 = vector.multi_reduction <maximumf>, %select_n3A_87, %reduce_max3A_88 [0] : vector<4096x256xf32> to vector<256xf32>
    %broadcast_in_dim3A_90 = vector.shape_cast %reduce_max3A_89 : vector<256xf32> to vector<1x256xf32>
    %eq3A_91 = arith.constant 3 : i32
    %eq3A_92 = vector.broadcast %eq3A_91 : i32 to vector<4096x1xi32>
    %eq3A_93 = arith.cmpi eq, %get3A_59, %eq3A_92 : vector<4096x1xi32>
    %jit3A_94 = arith.constant 0xFF800000 : f32
    %broadcast_in_dim3A_95 = vector.shape_cast %eq3A_93 : vector<4096x1xi1> to vector<4096x1xi1>
    %broadcast_in_dim3A_96 = vector.broadcast %broadcast_in_dim3A_95 : vector<4096x1xi1> to vector<4096x256xi1>
    %broadcast_in_dim3A_97 = vector.broadcast %jit3A_94 : f32 to vector<4096x256xf32>
    %select_n3A_98 = arith.select %broadcast_in_dim3A_96, %get3A_1, %broadcast_in_dim3A_97 : vector<4096x256xi1>, vector<4096x256xf32>
    %reduce_max3A_99 = arith.constant dense<0xFF800000> : vector<256xf32>
    %reduce_max3A_100 = vector.multi_reduction <maximumf>, %select_n3A_98, %reduce_max3A_99 [0] : vector<4096x256xf32> to vector<256xf32>
    %broadcast_in_dim3A_101 = vector.shape_cast %reduce_max3A_100 : vector<256xf32> to vector<1x256xf32>
    %eq3A_102 = arith.constant 4 : i32
    %eq3A_103 = vector.broadcast %eq3A_102 : i32 to vector<4096x1xi32>
    %eq3A_104 = arith.cmpi eq, %get3A_59, %eq3A_103 : vector<4096x1xi32>
    %jit3A_105 = arith.constant 0xFF800000 : f32
    %broadcast_in_dim3A_106 = vector.shape_cast %eq3A_104 : vector<4096x1xi1> to vector<4096x1xi1>
    %broadcast_in_dim3A_107 = vector.broadcast %broadcast_in_dim3A_106 : vector<4096x1xi1> to vector<4096x256xi1>
    %broadcast_in_dim3A_108 = vector.broadcast %jit3A_105 : f32 to vector<4096x256xf32>
    %select_n3A_109 = arith.select %broadcast_in_dim3A_107, %get3A_1, %broadcast_in_dim3A_108 : vector<4096x256xi1>, vector<4096x256xf32>
    %reduce_max3A_110 = arith.constant dense<0xFF800000> : vector<256xf32>
    %reduce_max3A_111 = vector.multi_reduction <maximumf>, %select_n3A_109, %reduce_max3A_110 [0] : vector<4096x256xf32> to vector<256xf32>
    %broadcast_in_dim3A_112 = vector.shape_cast %reduce_max3A_111 : vector<256xf32> to vector<1x256xf32>
    %eq3A_113 = arith.constant 5 : i32
    %eq3A_114 = vector.broadcast %eq3A_113 : i32 to vector<4096x1xi32>
    %eq3A_115 = arith.cmpi eq, %get3A_59, %eq3A_114 : vector<4096x1xi32>
    %jit3A_116 = arith.constant 0xFF800000 : f32
    %broadcast_in_dim3A_117 = vector.shape_cast %eq3A_115 : vector<4096x1xi1> to vector<4096x1xi1>
    %broadcast_in_dim3A_118 = vector.broadcast %broadcast_in_dim3A_117 : vector<4096x1xi1> to vector<4096x256xi1>
    %broadcast_in_dim3A_119 = vector.broadcast %jit3A_116 : f32 to vector<4096x256xf32>
    %select_n3A_120 = arith.select %broadcast_in_dim3A_118, %get3A_1, %broadcast_in_dim3A_119 : vector<4096x256xi1>, vector<4096x256xf32>
    %reduce_max3A_121 = arith.constant dense<0xFF800000> : vector<256xf32>
    %reduce_max3A_122 = vector.multi_reduction <maximumf>, %select_n3A_120, %reduce_max3A_121 [0] : vector<4096x256xf32> to vector<256xf32>
    %broadcast_in_dim3A_123 = vector.shape_cast %reduce_max3A_122 : vector<256xf32> to vector<1x256xf32>
    %eq3A_124 = arith.constant 6 : i32
    %eq3A_125 = vector.broadcast %eq3A_124 : i32 to vector<4096x1xi32>
    %eq3A_126 = arith.cmpi eq, %get3A_59, %eq3A_125 : vector<4096x1xi32>
    %jit3A_127 = arith.constant 0xFF800000 : f32
    %broadcast_in_dim3A_128 = vector.shape_cast %eq3A_126 : vector<4096x1xi1> to vector<4096x1xi1>
    %broadcast_in_dim3A_129 = vector.broadcast %broadcast_in_dim3A_128 : vector<4096x1xi1> to vector<4096x256xi1>
    %broadcast_in_dim3A_130 = vector.broadcast %jit3A_127 : f32 to vector<4096x256xf32>
    %select_n3A_131 = arith.select %broadcast_in_dim3A_129, %get3A_1, %broadcast_in_dim3A_130 : vector<4096x256xi1>, vector<4096x256xf32>
    %reduce_max3A_132 = arith.constant dense<0xFF800000> : vector<256xf32>
    %reduce_max3A_133 = vector.multi_reduction <maximumf>, %select_n3A_131, %reduce_max3A_132 [0] : vector<4096x256xf32> to vector<256xf32>
    %broadcast_in_dim3A_134 = vector.shape_cast %reduce_max3A_133 : vector<256xf32> to vector<1x256xf32>
    %eq3A_135 = arith.constant 7 : i32
    %eq3A_136 = vector.broadcast %eq3A_135 : i32 to vector<4096x1xi32>
    %eq3A_137 = arith.cmpi eq, %get3A_59, %eq3A_136 : vector<4096x1xi32>
    %jit3A_138 = arith.constant 0xFF800000 : f32
    %broadcast_in_dim3A_139 = vector.shape_cast %eq3A_137 : vector<4096x1xi1> to vector<4096x1xi1>
    %broadcast_in_dim3A_140 = vector.broadcast %broadcast_in_dim3A_139 : vector<4096x1xi1> to vector<4096x256xi1>
    %broadcast_in_dim3A_141 = vector.broadcast %jit3A_138 : f32 to vector<4096x256xf32>
    %select_n3A_142 = arith.select %broadcast_in_dim3A_140, %get3A_1, %broadcast_in_dim3A_141 : vector<4096x256xi1>, vector<4096x256xf32>
    %reduce_max3A_143 = arith.constant dense<0xFF800000> : vector<256xf32>
    %reduce_max3A_144 = vector.multi_reduction <maximumf>, %select_n3A_142, %reduce_max3A_143 [0] : vector<4096x256xf32> to vector<256xf32>
    %broadcast_in_dim3A_145 = vector.shape_cast %reduce_max3A_144 : vector<256xf32> to vector<1x256xf32>
    %eq3A_146 = arith.constant 8 : i32
    %eq3A_147 = vector.broadcast %eq3A_146 : i32 to vector<4096x1xi32>
    %eq3A_148 = arith.cmpi eq, %get3A_59, %eq3A_147 : vector<4096x1xi32>
    %jit3A_149 = arith.constant 0xFF800000 : f32
    %broadcast_in_dim3A_150 = vector.shape_cast %eq3A_148 : vector<4096x1xi1> to vector<4096x1xi1>
    %broadcast_in_dim3A_151 = vector.broadcast %broadcast_in_dim3A_150 : vector<4096x1xi1> to vector<4096x256xi1>
    %broadcast_in_dim3A_152 = vector.broadcast %jit3A_149 : f32 to vector<4096x256xf32>
    %select_n3A_153 = arith.select %broadcast_in_dim3A_151, %get3A_1, %broadcast_in_dim3A_152 : vector<4096x256xi1>, vector<4096x256xf32>
    %reduce_max3A_154 = arith.constant dense<0xFF800000> : vector<256xf32>
    %reduce_max3A_155 = vector.multi_reduction <maximumf>, %select_n3A_153, %reduce_max3A_154 [0] : vector<4096x256xf32> to vector<256xf32>
    %broadcast_in_dim3A_156 = vector.shape_cast %reduce_max3A_155 : vector<256xf32> to vector<1x256xf32>
    %eq3A_157 = arith.constant 9 : i32
    %eq3A_158 = vector.broadcast %eq3A_157 : i32 to vector<4096x1xi32>
    %eq3A_159 = arith.cmpi eq, %get3A_59, %eq3A_158 : vector<4096x1xi32>
    %jit3A_160 = arith.constant 0xFF800000 : f32
    %broadcast_in_dim3A_161 = vector.shape_cast %eq3A_159 : vector<4096x1xi1> to vector<4096x1xi1>
    %broadcast_in_dim3A_162 = vector.broadcast %broadcast_in_dim3A_161 : vector<4096x1xi1> to vector<4096x256xi1>
    %broadcast_in_dim3A_163 = vector.broadcast %jit3A_160 : f32 to vector<4096x256xf32>
    %select_n3A_164 = arith.select %broadcast_in_dim3A_162, %get3A_1, %broadcast_in_dim3A_163 : vector<4096x256xi1>, vector<4096x256xf32>
    %reduce_max3A_165 = arith.constant dense<0xFF800000> : vector<256xf32>
    %reduce_max3A_166 = vector.multi_reduction <maximumf>, %select_n3A_164, %reduce_max3A_165 [0] : vector<4096x256xf32> to vector<256xf32>
    %broadcast_in_dim3A_167 = vector.shape_cast %reduce_max3A_166 : vector<256xf32> to vector<1x256xf32>
    %eq3A_168 = arith.constant 10 : i32
    %eq3A_169 = vector.broadcast %eq3A_168 : i32 to vector<4096x1xi32>
    %eq3A_170 = arith.cmpi eq, %get3A_59, %eq3A_169 : vector<4096x1xi32>
    %jit3A_171 = arith.constant 0xFF800000 : f32
    %broadcast_in_dim3A_172 = vector.shape_cast %eq3A_170 : vector<4096x1xi1> to vector<4096x1xi1>
    %broadcast_in_dim3A_173 = vector.broadcast %broadcast_in_dim3A_172 : vector<4096x1xi1> to vector<4096x256xi1>
    %broadcast_in_dim3A_174 = vector.broadcast %jit3A_171 : f32 to vector<4096x256xf32>
    %select_n3A_175 = arith.select %broadcast_in_dim3A_173, %get3A_1, %broadcast_in_dim3A_174 : vector<4096x256xi1>, vector<4096x256xf32>
    %reduce_max3A_176 = arith.constant dense<0xFF800000> : vector<256xf32>
    %reduce_max3A_177 = vector.multi_reduction <maximumf>, %select_n3A_175, %reduce_max3A_176 [0] : vector<4096x256xf32> to vector<256xf32>
    %broadcast_in_dim3A_178 = vector.shape_cast %reduce_max3A_177 : vector<256xf32> to vector<1x256xf32>
    %eq3A_179 = arith.constant 11 : i32
    %eq3A_180 = vector.broadcast %eq3A_179 : i32 to vector<4096x1xi32>
    %eq3A_181 = arith.cmpi eq, %get3A_59, %eq3A_180 : vector<4096x1xi32>
    %jit3A_182 = arith.constant 0xFF800000 : f32
    %broadcast_in_dim3A_183 = vector.shape_cast %eq3A_181 : vector<4096x1xi1> to vector<4096x1xi1>
    %broadcast_in_dim3A_184 = vector.broadcast %broadcast_in_dim3A_183 : vector<4096x1xi1> to vector<4096x256xi1>
    %broadcast_in_dim3A_185 = vector.broadcast %jit3A_182 : f32 to vector<4096x256xf32>
    %select_n3A_186 = arith.select %broadcast_in_dim3A_184, %get3A_1, %broadcast_in_dim3A_185 : vector<4096x256xi1>, vector<4096x256xf32>
    %reduce_max3A_187 = arith.constant dense<0xFF800000> : vector<256xf32>
    %reduce_max3A_188 = vector.multi_reduction <maximumf>, %select_n3A_186, %reduce_max3A_187 [0] : vector<4096x256xf32> to vector<256xf32>
    %broadcast_in_dim3A_189 = vector.shape_cast %reduce_max3A_188 : vector<256xf32> to vector<1x256xf32>
    %eq3A_190 = arith.constant 12 : i32
    %eq3A_191 = vector.broadcast %eq3A_190 : i32 to vector<4096x1xi32>
    %eq3A_192 = arith.cmpi eq, %get3A_59, %eq3A_191 : vector<4096x1xi32>
    %jit3A_193 = arith.constant 0xFF800000 : f32
    %broadcast_in_dim3A_194 = vector.shape_cast %eq3A_192 : vector<4096x1xi1> to vector<4096x1xi1>
    %broadcast_in_dim3A_195 = vector.broadcast %broadcast_in_dim3A_194 : vector<4096x1xi1> to vector<4096x256xi1>
    %broadcast_in_dim3A_196 = vector.broadcast %jit3A_193 : f32 to vector<4096x256xf32>
    %select_n3A_197 = arith.select %broadcast_in_dim3A_195, %get3A_1, %broadcast_in_dim3A_196 : vector<4096x256xi1>, vector<4096x256xf32>
    %reduce_max3A_198 = arith.constant dense<0xFF800000> : vector<256xf32>
    %reduce_max3A_199 = vector.multi_reduction <maximumf>, %select_n3A_197, %reduce_max3A_198 [0] : vector<4096x256xf32> to vector<256xf32>
    %broadcast_in_dim3A_200 = vector.shape_cast %reduce_max3A_199 : vector<256xf32> to vector<1x256xf32>
    %eq3A_201 = arith.constant 13 : i32
    %eq3A_202 = vector.broadcast %eq3A_201 : i32 to vector<4096x1xi32>
    %eq3A_203 = arith.cmpi eq, %get3A_59, %eq3A_202 : vector<4096x1xi32>
    %jit3A_204 = arith.constant 0xFF800000 : f32
    %broadcast_in_dim3A_205 = vector.shape_cast %eq3A_203 : vector<4096x1xi1> to vector<4096x1xi1>
    %broadcast_in_dim3A_206 = vector.broadcast %broadcast_in_dim3A_205 : vector<4096x1xi1> to vector<4096x256xi1>
    %broadcast_in_dim3A_207 = vector.broadcast %jit3A_204 : f32 to vector<4096x256xf32>
    %select_n3A_208 = arith.select %broadcast_in_dim3A_206, %get3A_1, %broadcast_in_dim3A_207 : vector<4096x256xi1>, vector<4096x256xf32>
    %reduce_max3A_209 = arith.constant dense<0xFF800000> : vector<256xf32>
    %reduce_max3A_210 = vector.multi_reduction <maximumf>, %select_n3A_208, %reduce_max3A_209 [0] : vector<4096x256xf32> to vector<256xf32>
    %broadcast_in_dim3A_211 = vector.shape_cast %reduce_max3A_210 : vector<256xf32> to vector<1x256xf32>
    %eq3A_212 = arith.constant 14 : i32
    %eq3A_213 = vector.broadcast %eq3A_212 : i32 to vector<4096x1xi32>
    %eq3A_214 = arith.cmpi eq, %get3A_59, %eq3A_213 : vector<4096x1xi32>
    %jit3A_215 = arith.constant 0xFF800000 : f32
    %broadcast_in_dim3A_216 = vector.shape_cast %eq3A_214 : vector<4096x1xi1> to vector<4096x1xi1>
    %broadcast_in_dim3A_217 = vector.broadcast %broadcast_in_dim3A_216 : vector<4096x1xi1> to vector<4096x256xi1>
    %broadcast_in_dim3A_218 = vector.broadcast %jit3A_215 : f32 to vector<4096x256xf32>
    %select_n3A_219 = arith.select %broadcast_in_dim3A_217, %get3A_1, %broadcast_in_dim3A_218 : vector<4096x256xi1>, vector<4096x256xf32>
    %reduce_max3A_220 = arith.constant dense<0xFF800000> : vector<256xf32>
    %reduce_max3A_221 = vector.multi_reduction <maximumf>, %select_n3A_219, %reduce_max3A_220 [0] : vector<4096x256xf32> to vector<256xf32>
    %broadcast_in_dim3A_222 = vector.shape_cast %reduce_max3A_221 : vector<256xf32> to vector<1x256xf32>
    %eq3A_223 = arith.constant 15 : i32
    %eq3A_224 = vector.broadcast %eq3A_223 : i32 to vector<4096x1xi32>
    %eq3A_225 = arith.cmpi eq, %get3A_59, %eq3A_224 : vector<4096x1xi32>
    %jit3A_226 = arith.constant 0xFF800000 : f32
    %broadcast_in_dim3A_227 = vector.shape_cast %eq3A_225 : vector<4096x1xi1> to vector<4096x1xi1>
    %broadcast_in_dim3A_228 = vector.broadcast %broadcast_in_dim3A_227 : vector<4096x1xi1> to vector<4096x256xi1>
    %broadcast_in_dim3A_229 = vector.broadcast %jit3A_226 : f32 to vector<4096x256xf32>
    %select_n3A_230 = arith.select %broadcast_in_dim3A_228, %get3A_1, %broadcast_in_dim3A_229 : vector<4096x256xi1>, vector<4096x256xf32>
    %reduce_max3A_231 = arith.constant dense<0xFF800000> : vector<256xf32>
    %reduce_max3A_232 = vector.multi_reduction <maximumf>, %select_n3A_230, %reduce_max3A_231 [0] : vector<4096x256xf32> to vector<256xf32>
    %broadcast_in_dim3A_233 = vector.shape_cast %reduce_max3A_232 : vector<256xf32> to vector<1x256xf32>
    %concatenate3A = tpu.concatenate %broadcast_in_dim3A_68, %broadcast_in_dim3A_79, %broadcast_in_dim3A_90, %broadcast_in_dim3A_101, %broadcast_in_dim3A_112, %broadcast_in_dim3A_123, %broadcast_in_dim3A_134, %broadcast_in_dim3A_145, %broadcast_in_dim3A_156, %broadcast_in_dim3A_167, %broadcast_in_dim3A_178, %broadcast_in_dim3A_189, %broadcast_in_dim3A_200, %broadcast_in_dim3A_211, %broadcast_in_dim3A_222, %broadcast_in_dim3A_233 in 0 : vector<1x256xf32>, vector<1x256xf32>, vector<1x256xf32>, vector<1x256xf32>, vector<1x256xf32>, vector<1x256xf32>, vector<1x256xf32>, vector<1x256xf32>, vector<1x256xf32>, vector<1x256xf32>, vector<1x256xf32>, vector<1x256xf32>, vector<1x256xf32>, vector<1x256xf32>, vector<1x256xf32>, vector<1x256xf32> -> vector<16x256xf32>
    %lt3A = vector.broadcast %reduce_max3A_24 : f32 to vector<16x1xf32>
    %lt3A_234 = arith.cmpf olt, %broadcast_in_dim3A, %lt3A : vector<16x1xf32>
    %max3A_235 = arith.maximumf %concatenate3A, %add3A_54 : vector<16x256xf32>
    %broadcast_in_dim3A_236 = vector.shape_cast %lt3A_234 : vector<16x1xi1> to vector<16x1xi1>
    %broadcast_in_dim3A_237 = vector.broadcast %broadcast_in_dim3A_236 : vector<16x1xi1> to vector<16x256xi1>
    %select_n3A_238 = arith.select %broadcast_in_dim3A_237, %max3A_235, %concatenate3A : vector<16x256xi1>, vector<16x256xf32>
    %sub3A = vector.broadcast %reduce_max3A_24 : f32 to vector<16x1xf32>
    %sub3A_239 = arith.subf %sub3A, %broadcast_in_dim3A : vector<16x1xf32>
    %mul3A = vector.broadcast %sub3A_239 : vector<16x1xf32> to vector<16x256xf32>
    %mul3A_240 = arith.mulf %mul3A, %add3A_54 : vector<16x256xf32>
    %add3A_241 = arith.addf %dot_general3A_56, %mul3A_240 : vector<16x256xf32>
    %div3A_242 = vector.broadcast %reduce_max3A_24 : f32 to vector<16x256xf32>
    %div3A_243 = arith.divf %add3A_241, %div3A_242 : vector<16x256xf32>
    %get3A_244 = arith.constant 0 : index
    %get3A_245 = arith.constant 0 : index
    %get3A_246 = vector.load %arg10[%get3A_244, %get3A_245] : memref<512x256xf32, #tpu.memory_space<vmem>>, vector<512x256xf32>
    %slice3A_247 = vector.extract_strided_slice %get3A_246 {offsets = [0, 0], sizes = [256, 256], strides = [1, 1]} : vector<512x256xf32> to vector<256x256xf32>
    %dot_general3A_248 = arith.constant dense<0.000000e+00> : vector<16x256xf32>
    %dot_general3A_249 = tpu.matmul %select_n3A_238, %slice3A_247, %dot_general3A_248 {dimension_numbers = #tpu.dot_dimension_numbers<[1], [0], [0], [1], [0, 0, 1, 1], [], []>, transpose_lhs_hint = false} : vector<16x256xf32>, vector<256x256xf32>, vector<16x256xf32> -> vector<16x256xf32>
    %slice3A_250 = vector.extract_strided_slice %get3A_246 {offsets = [256, 0], sizes = [256, 256], strides = [1, 1]} : vector<512x256xf32> to vector<256x256xf32>
    %dot_general3A_251 = arith.constant dense<0.000000e+00> : vector<16x256xf32>
    %dot_general3A_252 = tpu.matmul %div3A_243, %slice3A_250, %dot_general3A_251 {dimension_numbers = #tpu.dot_dimension_numbers<[1], [0], [0], [1], [0, 0, 1, 1], [], []>, transpose_lhs_hint = false} : vector<16x256xf32>, vector<256x256xf32>, vector<16x256xf32> -> vector<16x256xf32>
    %add3A_253 = arith.addf %dot_general3A_249, %dot_general3A_252 : vector<16x256xf32>
    %get3A_254 = arith.constant 0 : index
    %get3A_255 = arith.constant 0 : index
    %get3A_256 = vector.load %arg11[%get3A_254, %get3A_255] : memref<1x256xf32, #tpu.memory_space<vmem>>, vector<1x256xf32>
    %add3A_257 = vector.broadcast %get3A_256 : vector<1x256xf32> to vector<16x256xf32>
    %add3A_258 = arith.addf %add3A_253, %add3A_257 : vector<16x256xf32>
    %max3A_259 = arith.constant 0.000000e+00 : f32
    %max3A_260 = vector.broadcast %max3A_259 : f32 to vector<16x256xf32>
    %max3A_261 = arith.maximumf %add3A_258, %max3A_260 : vector<16x256xf32>
    %get3A_262 = arith.constant 0 : index
    %get3A_263 = arith.constant 0 : index
    %get3A_264 = vector.load %arg12[%get3A_262, %get3A_263] : memref<256x128xf32, #tpu.memory_space<vmem>>, vector<256x128xf32>
    %dot_general3A_265 = arith.constant dense<0.000000e+00> : vector<16x128xf32>
    %dot_general3A_266 = tpu.matmul %max3A_261, %get3A_264, %dot_general3A_265 {dimension_numbers = #tpu.dot_dimension_numbers<[1], [0], [0], [1], [0, 0, 1, 1], [], []>, transpose_lhs_hint = false} : vector<16x256xf32>, vector<256x128xf32>, vector<16x128xf32> -> vector<16x128xf32>
    %get3A_267 = arith.constant 0 : index
    %get3A_268 = arith.constant 0 : index
    %get3A_269 = vector.load %arg13[%get3A_267, %get3A_268] : memref<1x128xf32, #tpu.memory_space<vmem>>, vector<1x128xf32>
    %add3A_270 = vector.broadcast %get3A_269 : vector<1x128xf32> to vector<16x128xf32>
    %add3A_271 = arith.addf %dot_general3A_266, %add3A_270 : vector<16x128xf32>
    %swap3A = arith.constant 0 : index
    %swap3A_272 = arith.constant 0 : index
    %swap3A_273 = vector.load %arg15[%swap3A, %swap3A_272] : memref<16x128xf32, #tpu.memory_space<vmem>>, vector<16x128xf32>
    tpu.vector_store %arg15[%swap3A, %swap3A_272], %add3A_271 {strides = array<i32>} : memref<16x128xf32, #tpu.memory_space<vmem>>, vector<16x128xf32>,
    %get3A_274 = arith.constant 0 : index
    %get3A_275 = arith.constant 0 : index
    %get3A_276 = vector.load %arg14[%get3A_274, %get3A_275] : memref<16x128xf32, #tpu.memory_space<vmem>>, vector<16x128xf32>
    %iota3A_277 = tpu.iota {dimensions = array<i32: 1>} : vector<16x128xi32>
    %max3A_278 = arith.constant 0.000000e+00 : f32
    %max3A_279 = vector.broadcast %max3A_278 : f32 to vector<16x128xf32>
    %max3A_280 = arith.maximumf %add3A_271, %max3A_279 : vector<16x128xf32>
    %mul3A_281 = arith.mulf %add3A_271, %get3A_276 : vector<16x128xf32>
    %sub3A_282 = arith.subf %max3A_280, %mul3A_281 : vector<16x128xf32>
    %abs3A = math.absf %add3A_271 : vector<16x128xf32>
    %neg3A = arith.constant 0.000000e+00 : f32
    %neg3A_283 = vector.broadcast %neg3A : f32 to vector<16x128xf32>
    %neg3A_284 = arith.subf %neg3A_283, %abs3A : vector<16x128xf32>
    %exp3A = math.exp %neg3A_284 : vector<16x128xf32>
    %log1p3A = math.log1p %exp3A : vector<16x128xf32>
    %add3A_285 = arith.addf %sub3A_282, %log1p3A : vector<16x128xf32>
    %lt3A_286 = arith.constant 3 : i32
    %lt3A_287 = vector.broadcast %lt3A_286 : i32 to vector<16x128xi32>
    %lt3A_288 = arith.cmpi slt, %iota3A_277, %lt3A_287 : vector<16x128xi32>
    %jit3A_289 = arith.constant 0.000000e+00 : f32
    %broadcast_in_dim3A_290 = vector.broadcast %jit3A_289 : f32 to vector<16x128xf32>
    %select_n3A_291 = arith.select %lt3A_288, %add3A_285, %broadcast_in_dim3A_290 : vector<16x128xi1>, vector<16x128xf32>
    %reduce_sum3A_292 = vector.shape_cast %select_n3A_291 : vector<16x128xf32> to vector<1x16x128xf32>
    %reduce_sum3A_293 = arith.constant dense<0.000000e+00> : vector<1xf32>
    %reduce_sum3A_294 = vector.multi_reduction <add>, %reduce_sum3A_292, %reduce_sum3A_293 [1, 2] : vector<1x16x128xf32> to vector<1xf32>
    %reduce_sum3A_295 = vector.shape_cast %reduce_sum3A_294 : vector<1xf32> to vector<1x1x1xf32>
    %reduce_sum3A_296 = vector.extract %reduce_sum3A_295[0, 0, 0] : f32 from vector<1x1x1xf32>
    %broadcast_in_dim3A_297 = vector.broadcast %reduce_sum3A_296 : f32 to vector<1x1xf32>
    %div3A_298 = arith.constant 4.800000e+01 : f32
    %div3A_299 = vector.broadcast %div3A_298 : f32 to vector<1x1xf32>
    %div3A_300 = arith.divf %broadcast_in_dim3A_297, %div3A_299 : vector<1x1xf32>
    %swap3A_301 = arith.constant 0 : index
    %swap3A_302 = arith.constant 0 : index
    %swap3A_303 = vector.load %arg16[%swap3A_301, %swap3A_302] : memref<1x1xf32, #tpu.memory_space<vmem>>, vector<1x1xf32>
    tpu.vector_store %arg16[%swap3A_301, %swap3A_302], %div3A_300 {strides = array<i32>} : memref<1x1xf32, #tpu.memory_space<vmem>>, vector<1x1xf32>,
    return
  }
  func.func @transform_0(%arg0: i32) -> (i32, i32) {
    %c0_i32 = arith.constant 0 : i32
    %c0_i32_0 = arith.constant 0 : i32
    %c0_i32_1 = arith.constant 0 : i32
    return %c0_i32, %c0_i32_0 : i32, i32
  }
  func.func @transform_1(%arg0: i32) -> (i32, i32) {
    %c0_i32 = arith.constant 0 : i32
    %c0_i32_0 = arith.constant 0 : i32
    %c0_i32_1 = arith.constant 0 : i32
    return %c0_i32, %c0_i32_0 : i32, i32
  }
  func.func @transform_2(%arg0: i32) -> (i32, i32) {
    %c0_i32 = arith.constant 0 : i32
    %c0_i32_0 = arith.constant 0 : i32
    %c0_i32_1 = arith.constant 0 : i32
    return %c0_i32, %c0_i32_0 : i32, i32
  }
  func.func @transform_3(%arg0: i32) -> (i32, i32) {
    %c0_i32 = arith.constant 0 : i32
    %c0_i32_0 = arith.constant 0 : i32
    %c0_i32_1 = arith.constant 0 : i32
    return %c0_i32, %c0_i32_0 : i32, i32
  }
  func.func @transform_4(%arg0: i32) -> (i32, i32) {
    %c0_i32 = arith.constant 0 : i32
    %c0_i32_0 = arith.constant 0 : i32
    %c0_i32_1 = arith.constant 0 : i32
    return %c0_i32, %c0_i32_0 : i32, i32
  }
  func.func @transform_5(%arg0: i32) -> (i32, i32) {
    %c0_i32 = arith.constant 0 : i32
    %c0_i32_0 = arith.constant 0 : i32
    %c0_i32_1 = arith.constant 0 : i32
    return %c0_i32, %c0_i32_0 : i32, i32
  }
  func.func @transform_6(%arg0: i32) -> (i32, i32) {
    %c0_i32 = arith.constant 0 : i32
    %c0_i32_0 = arith.constant 0 : i32
    %c0_i32_1 = arith.constant 0 : i32
    return %c0_i32, %c0_i32_0 : i32, i32
  }
  func.func @transform_7(%arg0: i32) -> (i32, i32) {
    %c0_i32 = arith.constant 0 : i32
    %c0_i32_0 = arith.constant 0 : i32
    %c0_i32_1 = arith.constant 0 : i32
    return %c0_i32, %c0_i32_0 : i32, i32
  }
  func.func @transform_8(%arg0: i32) -> (i32, i32) {
    %c0_i32 = arith.constant 0 : i32
    %c0_i32_0 = arith.constant 0 : i32
    %c0_i32_1 = arith.constant 0 : i32
    return %c0_i32, %c0_i32_0 : i32, i32
  }
  func.func @transform_9(%arg0: i32) -> (i32, i32) {
    %c0_i32 = arith.constant 0 : i32
    %c0_i32_0 = arith.constant 0 : i32
    %c0_i32_1 = arith.constant 0 : i32
    return %c0_i32, %c0_i32_0 : i32, i32
  }
  func.func @transform_10(%arg0: i32) -> (i32, i32) {
    %c0_i32 = arith.constant 0 : i32
    %c0_i32_0 = arith.constant 0 : i32
    %c0_i32_1 = arith.constant 0 : i32
    return %c0_i32, %c0_i32_0 : i32, i32
  }
  func.func @transform_11(%arg0: i32) -> (i32, i32) {
    %c0_i32 = arith.constant 0 : i32
    %c0_i32_0 = arith.constant 0 : i32
    %c0_i32_1 = arith.constant 0 : i32
    return %c0_i32, %c0_i32_0 : i32, i32
  }
  func.func @transform_12(%arg0: i32) -> (i32, i32) {
    %c0_i32 = arith.constant 0 : i32
    %c0_i32_0 = arith.constant 0 : i32
    %c0_i32_1 = arith.constant 0 : i32
    return %c0_i32, %c0_i32_0 : i32, i32
  }
  func.func @transform_13(%arg0: i32) -> (i32, i32) {
    %c0_i32 = arith.constant 0 : i32
    %c0_i32_0 = arith.constant 0 : i32
    %c0_i32_1 = arith.constant 0 : i32
    return %c0_i32, %c0_i32_0 : i32, i32
  }
  func.func @transform_14(%arg0: i32) -> (i32, i32) {
    %c0_i32 = arith.constant 0 : i32
    %c0_i32_0 = arith.constant 0 : i32
    %c0_i32_1 = arith.constant 0 : i32
    return %c0_i32, %c0_i32_0 : i32, i32
  }
  func.func @transform_15(%arg0: i32) -> (i32, i32) {
    %c0_i32 = arith.constant 0 : i32
    %c0_i32_0 = arith.constant 0 : i32
    %c0_i32_1 = arith.constant 0 : i32
    return %c0_i32, %c0_i32_0 : i32, i32
  }
}

</mosaic_0001>

<sc_bundles>
// kernel: gather_offload_async_start
scs
__scs_entry_jumppad:
0x0: {  	(pc) =	sbr.rel $0x88, $3  }
0x1: {  	(tag) =	ssettag $0x0;
	lr =	simm.s32 $0x1  }
0x2: {  	[smem:$0x3F8A] =	sst lr;
	_ =	strace $0xD0000000  }
0x3: {  	_ = 	snop  }
0x4: {  	_ = 	snop  }
0x5: {  	_ = 	snop  }
0x6: {  	_ = 	snop  }
0x7: {  	_ = 	snop  }
__scs_overlays_trampoline_lowered:
0x8: {  	[smem:$0x3F99] =	sst s0  }
0x9: {  	[smem:$0x3F9A] =	sst s1  }
0xa: {  	[smem:$0x3F9B] =	sst s2  }
0xb: {  	[smem:$0x3F9C] =	sst s3  }
0xc: {  	[smem:$0x3F9D] =	sst s4  }
0xd: {  	[smem:$0x3F9E] =	sst s5  }
0xe: {  	[smem:$0x3F9F] =	sst s6  }
0xf: {  	[smem:$0x3FA0] =	sst s7  }
0x10: {  	[smem:$0x3FA1] =	sst s8  }
0x11: {  	[smem:$0x3FA2] =	sst s9;
	s0 =	simm.s32 @!p0 $0x0  }
0x12: {  	s1 =	sld [smem:$0x3F88];
	s0 =	simm.s32 @p0 $0x1  }
0x13: {  	[smem:$0x3FA3] =	sst s0;
	s0 =	simm.s32 @!p1 $0x0  }
0x14: {  	s2 =	sld [smem:$0x3F87];
	s0 =	simm.s32 @p1 $0x1  }
0x15: {  	[smem:$0x3FA4] =	sst s0;
	s0 =	simm.s32 @!p2 $0x0  }
0x16: {  	s3 =	sld [smem:$0x3FDB];
	s0 =	simm.s32 @p2 $0x1  }
0x17: {  	s4 =	simm.s32 $0x1BF5;
	[smem:$0x3FA6] =	sst s0  }
0x18: {  	s0 =	sld [smem:$0x3F89];
	_ =	swait.ge [sflag:s4], $0x0  }
0x19: {  	s7 =	sld [smem:$0x3F8A]  }
0x1a: {  	s8 =	sadd.s32 $0xFFFFE003, lr  }
0x1b: {  	s9 =	sadd.s32 $0xFFFFFEF7, lr;
	s5 =	simm.s32 $0xFFFFFFFF;
	p2 =	slt.u32 s8, $0xFFFFF086  }
0x1c: {  	p1 =	slt.u32 s9, $0xF7A;
	s5 =	simm.s32 @!p2 $0x0  }
0x1d: {  	s5 =	simm.s32 @p1 $0x1;
	p0 =	seq.s32 s7, s2  }
0x1e: {  	s7 =	smul.u32 @!p0 $0xF7A, s2;
	p2 =	seq.s32 @!p0 s5, $0x0  }
0x1f: {  	s9 =	smul.u32 $0xF7A, s1;
	s8 =	simm.s32 @!p0 $0x1BF5;
	p2 =	por !p2, p0  }
0x20: {  	[sflag:s8] =	ssyncset.s32 @!p0 $0xFFFFF086;
	s6 =	sadd.s32 @!p0 s3, s7;
	s7 =	simm.s32 @!p0 $0x108  }
0x21: {  	s3 =	sadd.s32 s3, s9;
	s6 =	sadd.s32 @!p0 $0x88, s6;
	s7 =	simm.s32 @p2 $0x1082  }
0x22: {  	[simem:s7], [sflag:s8] =	dma.local @!p0 [hbm:s6], $0xF7A  }
0x23: {  	s9 =	sor.u32 $0xD0000000, s2;
	s6 =	simm.s32 $0x108;
	_ =	swait.ge @!p0 [sflag:s8], $0x0  }
0x24: {  	s3 =	sadd.s32 $0x88, s3;
	s6 =	simm.s32 @!p1 $0x1082;
	[sflag:s4] =	ssyncset.s32 $0xFFFFF086  }
0x25: {  	[simem:s6], [sflag:s4] =	dma.local [hbm:s3], $0xF7A  }
0x26: {  	[smem:$0x3F8A] =	sst s1;
	(tag) =	ssettag s2;
	_ =	strace s9  }
0x27: {  	s1 =	sld [smem:$0x3F9A]  }
0x28: {  	s2 =	sld [smem:$0x3F9B]  }
0x29: {  	s4 =	sld [smem:$0x3F9D]  }
0x2a: {  	p0 =	seq.s32 s5, $0x0;
	s5 =	sld [smem:$0x3F9E]  }
0x2b: {  	s6 =	sld [smem:$0x3F9F]  }
0x2c: {  	s7 =	sld [smem:$0x3FA0]  }
0x2d: {  	s3 =	simm.s32 $0x108;
	s8 =	sld [smem:$0x3FA1]  }
0x2e: {  	s3 =	simm.s32 @!p0 $0x1082;
	s9 =	sld [smem:$0x3FA2]  }
0x2f: {  	lr =	sadd.s32 s0, s3;
	s0 =	sld [smem:$0x3F99]  }
0x30: {  	s3 =	sld [smem:$0x3F9C]  }
0x31: {  	[smem:$0x3FA5] =	sst s10  }
0x32: {  	s10 =	sld [smem:$0x3FA3];
	_ =	sdelay $0x3  }
0x33: {  	p0 =	seq.s32 s10, $0x1;
	s10 =	sld [smem:$0x3FA5];
	_ =	sdelay $0x3  }
0x34: {  	[smem:$0x3FA5] =	sst s10  }
0x35: {  	s10 =	sld [smem:$0x3FA4];
	_ =	sdelay $0x3  }
0x36: {  	p1 =	seq.s32 s10, $0x1;
	s10 =	sld [smem:$0x3FA5];
	_ =	sdelay $0x3  }
0x37: {  	[smem:$0x3FA5] =	sst s10  }
0x38: {  	s10 =	sld [smem:$0x3FA6]  }
0x39: {  	_ = 	snop;
	(pc) =	sbr.ind lr, $3  }
0x3a: {  	_ = 	snop  }
0x3b: {  	_ = 	snop  }
0x3c: {  	p2 =	seq.s32 s10, $0x1;
	s10 =	sld [smem:$0x3FA5]  }
0x3d: {  	_ =	shalt  }
0x3e: {  	_ =	shalt  }
0x3f: {  	_ =	shalt  }
0x40: {  	_ =	shalt  }
0x41: {  	_ =	shalt  }
0x42: {  	_ =	shalt  }
0x43: {  	_ =	shalt  }
0x44: {  	_ =	shalt  }
0x45: {  	_ =	shalt  }
0x46: {  	_ =	shalt  }
0x47: {  	_ =	shalt  }
0x48: {  	_ =	shalt  }
0x49: {  	_ =	shalt  }
0x4a: {  	_ =	shalt  }
0x4b: {  	_ =	shalt  }
0x4c: {  	_ =	shalt  }
0x4d: {  	_ =	shalt  }
0x4e: {  	_ =	shalt  }
0x4f: {  	_ =	shalt  }
0x50: {  	_ =	shalt  }
0x51: {  	_ =	shalt  }
0x52: {  	_ =	shalt  }
0x53: {  	_ =	shalt  }
0x54: {  	_ =	shalt  }
0x55: {  	_ =	shalt  }
0x56: {  	_ =	shalt  }
0x57: {  	_ =	shalt  }
0x58: {  	_ =	shalt  }
0x59: {  	_ =	shalt  }
0x5a: {  	_ =	shalt  }
0x5b: {  	_ =	shalt  }
0x5c: {  	_ =	shalt  }
0x5d: {  	_ =	shalt  }
0x5e: {  	_ =	shalt  }
0x5f: {  	_ =	shalt  }
0x60: {  	_ =	shalt  }
0x61: {  	_ =	shalt  }
0x62: {  	_ =	shalt  }
0x63: {  	_ =	shalt  }
0x64: {  	_ =	shalt  }
0x65: {  	_ =	shalt  }
0x66: {  	_ =	shalt  }
0x67: {  	_ =	shalt  }
0x68: {  	_ =	shalt  }
0x69: {  	_ =	shalt  }
0x6a: {  	_ =	shalt  }
0x6b: {  	_ =	shalt  }
0x6c: {  	_ =	shalt  }
0x6d: {  	_ =	shalt  }
0x6e: {  	_ =	shalt  }
0x6f: {  	_ =	shalt  }
0x70: {  	_ =	shalt  }
0x71: {  	_ =	shalt  }
0x72: {  	_ =	shalt  }
0x73: {  	_ =	shalt  }
0x74: {  	_ =	shalt  }
0x75: {  	_ =	shalt  }
0x76: {  	_ =	shalt  }
0x77: {  	_ =	shalt  }
0x78: {  	_ =	shalt  }
0x79: {  	_ =	shalt  }
0x7a: {  	_ =	shalt  }
0x7b: {  	_ =	shalt  }
0x7c: {  	_ =	shalt  }
0x7d: {  	_ =	shalt  }
0x7e: {  	_ =	shalt  }
0x7f: {  	_ =	shalt  }
0x80: {  	_ =	shalt  }
0x81: {  	_ =	shalt  }
0x82: {  	_ =	shalt  }
0x83: {  	_ =	shalt  }
0x84: {  	_ =	shalt  }
0x85: {  	_ =	shalt  }
0x86: {  	_ =	shalt  }
0x87: {  	_ =	shalt  }
.Lfunc_end0:
.L_simem_size_0:
called_computation_lowered:
.L_overlay_start_0:
0x88: {  	s2 =	sld [smem:$0x3FD9]  }
0x89: {  	s3 =	sld [smem:$0x3FFE];
	_ =	sdelay $0x1  }
0x8a: {  	s1 =	srdreg.scid  }
0x8b: {  	s0 =	sand.u32 $0x1, s1  }
0x8c: {  	s17 =	sshll.u32 s0, $0xA;
	s2 =	sadd.s32 s3, s2  }
0x8d: {  	s2 =	sadd.s32 s2, s17  }
0x8e: {  	[smem:$0x3FB1] =	sst s2  }
0x8f: {  	_ = 	snop  }
0x90: {  	s2 =	sld [smem:$0x3FC2];
	(tm) =	ssettm $0x1  }
0x91: {  	s18 =	sld [smem:$0x3FFB];
	_ =	sdelay $0x3  }
0x92: {  	_ =	strace s18  }
0x93: {  	s3 =	sld [smem:$0x3FFC];
	_ =	sdelay $0x3  }
0x94: {  	_ =	strace s3  }
0x95: {  	s3 =	sld [smem:$0x3FFD];
	_ =	sdelay $0x3  }
0x96: {  	_ =	strace s3  }
0x97: {  	_ =	strace $0x8FFFFFFF  }
0x98: {  	s19 =	sld [smem:$0x3FDB];
	_ =	sdelay $0x1  }
0x99: {  	s4 =	simm.s32 $_scs_section_size  }
0x9a: {  	s5 =	simm.s32 $_size__tile_overlayer_lowered;
	s6 =	simm.s32 $_tile_overlayer_lowered  }
0x9b: {  	s22 =	simm.s32 $0x1BFF;
	s21 =	sshll.u32 s6, $0x1;
	s3 =	sadd.s32 s4, s19  }
0x9c: {  	s7 =	simm.s32 $0x0;
	s20 =	sshll.u32 s5, $0x1;
	s5 =	sadd.s32 s21, s3  }
0x9d: {  	[timem:s7], [sflag:s22] =	dma.local [hbm:s5], s20  }
0x9e: {  	_ =	swait.ge [sflag:s22], s20  }
0x9f: {  	s4 =	ssub.s32 $0x0, s20;
	[sflag:s22] =	ssyncset.done $0x0  }
0xa0: {  	[sflag:s22] =	ssyncadd.s32 s4;
	_ =	sdelay $0x1  }
0xa1: {  	s23 =	simm.s32 $0x1B8B  }
0xa2: {  	_ =	swait.ge [sflag:s23], $0x1  }
0xa3: {  	[sflag:s23] =	ssyncset.done $0x0  }
0xa4: {  	s25 =	simm.s32 $0x1B8E;
	s24 =	sld [smem:$0x3FFE];
	[sflag:s23] =	ssyncadd.s32 $0xFFFFFFFF  }
0xa5: {  	s26 =	simm.s32 $execute0_lowered;
	[smem:$0x3FD2] =	sst s25  }
0xa6: {  	s5 =	sshll.u32 s26, $0x1;
	_ =	strace $0x80000046;
	[dreg:$0x1] =	wrdreg $0xFFFFFFFF  }
0xa7: {  	s28 =	simm.s32 $_size_execute0_lowered;
	s3 =	sadd.s32 s3, s5;
	[dreg:$0x0] =	wrdreg $0x0  }
0xa8: {  	s5 =	sshll.u32 s28, $0x1;
	[dreg:$0x2] =	wrdreg s3  }
0xa9: {  	[dreg:$0x3] =	wrdreg s5  }
0xaa: {  	[dreg:$0x4] =	wrdreg $0xC0  }
0xab: {  	_ =	task [dreg:s7], $0x5FFFF  }
0xac: {  	[dreg:$0x1] =	wrdreg $0xFFFFFFFF  }
0xad: {  	[dreg:$0x0] =	wrdreg $0x60  }
0xae: {  	[dreg:$0x2] =	wrdreg s2  }
0xaf: {  	[dreg:$0x3] =	wrdreg s24  }
0xb0: {  	[dreg:$0x4] =	wrdreg $0x9  }
0xb1: {  	_ =	task.clear_ibuf [dreg:s7], $0x5FFFF;
	_ =	strace $0x90000046  }
0xb2: {  	s29 =	simm.s32 $0x9;
	_ =	strace $0x80000048  }
0xb3: {  	_ =	swait.ge [sflag:s29], $0x1  }
0xb4: {  	[sflag:s29] =	ssyncadd.s32 $0xFFFFFFFF  }
0xb5: {  	_ =	strace $0x90000048  }
0xb6: {  	_ =	sfence  }
0xb7: {  	s30 =	sld [smem:$0x0];
	_ =	sdelay $0x2  }
0xb8: {  	s31 =	sshll.u32 s1, $0xD;
	s1 =	sshrl.u32 s1, $0x2  }
0xb9: {  	s3 =	sand.u32 $0x4000, s31;
	s1 =	sadd.s32 s1, s30  }
0xba: {  	s0 =	sor.u32 s3, s0;
	s1 =	sshll.u32 s1, $0x11  }
0xbb: {  	s0 =	sor.u32 s1, s0  }
0xbc: {  	s0 =	sadd.s32 $0x8F2B, s0  }
0xbd: {  	[sflag:s0] =	ssyncadd.remote.s32 $0x1  }
0xbe: {  	_ =	sfence.sel $0xFFFF  }
0xbf: {  	[dreg:$0x0] =	wrdreg $0xFFFFFFFF;
	(pc) =	sbr.abs _section_cstart, $3  }
0xc0: {  	[dreg:$0x1] =	wrdreg $0xFFFFFFFF  }
0xc1: {  	_ =	task.clear_ibuf [dreg:s7], $0x2FFFF;
	_ =	strace $0x9FFFFFFF  }
0xc2: {  	(tm) =	ssettm $0x7FFFFFFF  }
0xc3: {  	_ =	shalt  }
tec
execute0_lowered:
.L_overlay_start_1:
0x0: {  	(tag) =	ssettag $0x1  }
0x1: {  	s2 =	rddreg [dreg:$0x0]  }
0x2: {  	s7 =	rddreg [dreg:$0x1]  }
0x3: {  	s0 =	rddreg [dreg:$0x2]  }
0x4: {  	s1 =	srdreg.scid;
	_ =	strace $0x80000047;
	s4 =	simm.s32 $0x1  }
0x5: {  	s9 =	simm.s32 $0x3;
	s11 =	simm.s32 $0x0;
	s5 =	sshll.u32 s1, $0x4  }
.Ltmp0:
0x6: {  	s1 =	stileid.u32;
	s5 =	sand.u32 $0x10, s5;
	(pc) =	sbr.rel .LBB2_1-.Ltmp0, $4  }
0x7: {  	p0 =	por $0x0, $0x0;
	s3 =	sadd.s32 $0x1000, s7;
	s6 =	sor.u32 s1, s5  }
0x8: {  	[sflag:s4] =	ssyncpa.u1 $0x0;
	s5 =	simm.s32 $0x2;
	s6 =	sshll.u32 s6, $0x8  }
0x9: {  	s7 =	sadd.s32 $0x81400, s7;
	[sflag:s5] =	ssyncpa.u1 $0x0;
	s8 =	sadd.s32 $0x100, s6  }
0xa: {  	vm0 =	vmmov $0xff;
	vm1 =	vcmask $0x3F20;
	[sflag:s9] =	ssyncpa.u1 $0x0;
	s10 =	smov.u32 s6;
	s9 =	simm.s32 $0x0  }
.LBB2_8:
0xb: {  	[hbm:s15] =	stream.linear.scatter [tilespmem:s12], [sflag:$0x3], $0x800, $0x38;
	[tilespmem:$0x10100] =	vst v63  }
.LBB2_9:
0xc: {  	p1 =	slt.u32 s9, $0x2;
	s11 =	sadd.s32 $0x80, s10  }
0xd: {  	s13 =	smov.u32 s6;
	s9 =	sadd.s32 $0x1, s9;
	p2 =	slt.s32 s11, s8  }
0xe: {  	s13 =	smov.u32 @p2 s11;
	p2 =	sne.s32 s9, $0x4  }
.Ltmp1:
0xf: {  	_ = 	snop;
	(pc) =	sbr.rel @!p2 .LBB2_10-.Ltmp1, $4  }
0x10: {  	s12 =	simm.s32 @!p1 $0x3  }
0x11: {  	_ =	swait.ge @!p1 [sflag:s12], $0x8000  }
0x12: {  	p0 =	por !p0, !p0;
	[sflag:s12] =	ssyncset.done @!p1 $0x0  }
0x13: {  	s11 =	smov.u32 s10;
	s10 =	smov.u32 s13;
	[sflag:s12] =	ssyncadd.s32 @!p1 $0xFFFF8000  }
.LBB2_1:
0x14: {  	p1 =	sgt.u32 s9, $0x1  }
0x15: {  	s12 =	sshll.u32 @!p1 s9, $0x7;
	s13 =	sshrl.u32 @!p1 s10, $0x3  }
0x16: {  	s14 =	sand.u32 @!p1 $0x7, s10;
	s12 =	sxor.u32 @!p1 $0x80, s12;
	s13 =	sadd.s32 @!p1 s3, s13  }
0x17: {  	[tilespmem:s12], [sflag:$0x2] =	stream.linear.gather @!p1 [hbm4b:s13+s14], $0x80, $0x38;
	[tilespmem:$0x10100] =	vst v63  }
0x18: {  	p1 =	seq.s32 s9, $0x0  }
0x19: {  	p2 =	seq.s32 @!p1 s9, $0x3  }
0x1a: {  	p1 =	por p1, p2  }
.Ltmp2:
0x1b: {  	_ = 	snop;
	(pc) =	sbr.rel @p1 .LBB2_9-.Ltmp2, $1  }
0x1c: {  	_ =	sdelay $0x3  }
0x1d: {  	s12 =	simm.s32 $0x1;
	_ =	swait.ge [sflag:s5], $0x80;
	s13 =	sand.u32 $0x1, s9  }
0x1e: {  	s15 =	simm.s32 $0x0;
	s12 =	simm.s32 @!p0 $0x0;
	[sflag:s5] =	ssyncset.done $0x0  }
0x1f: {  	s14 =	sshll.u32 s13, $0xF;
	s13 =	sshll.u32 s13, $0x7;
	s12 =	sshll.u32 s12, $0xF  }
0x20: {  	[sflag:s5] =	ssyncadd.s32 $0xFFFFFF80;
	s14 =	sor.u32 $0x100, s14;
	s12 =	sor.u32 $0x100, s12  }
.LBB2_3:
0x21: {  	s16 =	sshll.u32 s15, $0x4  }
0x22: {  	s16 =	sand.u32 $0x3FFFFFF0, s16  }
0x23: {  	s16 =	sadd.s32 s16, s13  }
0x24: {  	v0 =	vld.msk [tilespmem:s16+$0x0 ss:$0x1], $0xffff;
	_ =	sdelay $0x4  }
0x25: {  	vm2 =	vgt.s32 v0, $0x0  }
0x26: {  	v0 =	vnsel vm2, $0x0, v0  }
0x27: {  	v0 =	vmin.u32 v0, $0x1869F  }
0x28: {  	s31 =	sshll.u32 s15, $0xC;
	v1 =	vshll.u32 v0, $0x5;
	v0 =	vshll.u32 v0, $0x4  }
0x29: {  	s16 =	sand.u32 $0x3FFFF000, s31;
	v1 =	vand.u32 $0x3FFF00, v1;
	v0 =	vand.u32 $0x70, v0  }
0x2a: {  	p1 =	por $0x1, $0x1;
	s17 =	simm.s32 $0x0;
	s16 =	sadd.s32 s16, s14;
	v0 =	vor.u32 v0, v1  }
.LBB2_4:
0x2b: {  	_ =	sdelay $0x1  }
0x2c: {  	s17 =	sshra.s32 s17, $0x2;
	p2 =	por p1, p1  }
.Ltmp3:
0x2d: {  	s17 =	sadd.s32 s17, s16;
	(pc) =	sbr.rel @p2 .LBB2_4-.Ltmp3, $4  }
0x2e: {  	[tilespmem:s17], [sflag:$0x1] =	stream.indirect_vreg.gather [hbm:s2], $0x80, v0, vm0, $0x38;
	[tilespmem:$0x10100] =	vst v63  }
0x2f: {  	s17 =	sadd.s32 $0x800, s17  }
0x30: {  	[tilespmem:s17], [sflag:$0x1] =	stream.indirect_vreg.gather [hbm:s2], $0x80, v0, vm1, $0x38;
	[tilespmem:$0x10100] =	vst v63  }
0x31: {  	p1 =	por $0x0, $0x0;
	v0 =	vadd.s32 $0x80, v0;
	s17 =	simm.s32 $0x1000  }
0x32: {  	s15 =	sadd.s32 $0x1, s15  }
0x33: {  	p1 =	sne.s32 s15, $0x8  }
.Ltmp4:
0x34: {  	_ = 	snop;
	(pc) =	sbr.rel @p1 .LBB2_3-.Ltmp4, $1  }
0x35: {  	_ =	sdelay $0x3  }
0x36: {  	s13 =	sshll.u32 s11, $0x5  }
0x37: {  	s31 =	sshll.u32 s11, $0x4;
	s13 =	sand.u32 $0xFFFFFF00, s13  }
0x38: {  	_ =	swait.ge [sflag:s4], $0x8000;
	s11 =	sand.u32 $0x70, s31;
	s13 =	sadd.s32 s13, s7  }
0x39: {  	s14 =	sadd.s32 $0x800, s12;
	[sflag:s4] =	ssyncset.done $0x0;
	s11 =	sadd.s32 s11, s13  }
0x3a: {  	[sflag:s4] =	ssyncadd.s32 $0xFFFF8000;
	s13 =	simm.s32 $0x100;
	s15 =	sadd.s32 $0x0, s11  }
.LBB2_7:
0x3b: {  	[hbm:s15] =	stream.linear.scatter [tilespmem:s12], [sflag:$0x3], $0x800, $0x38;
	[tilespmem:$0x10100] =	vst v63  }
0x3c: {  	s15 =	smov.u32 s13;
	s12 =	smov.u32 s14;
	p1 =	sne.s32 s13, $0xF00  }
.Ltmp5:
0x3d: {  	s13 =	sadd.s32 $0x100, s13;
	(pc) =	sbr.rel @p1 .LBB2_7-.Ltmp5, $2  }
0x3e: {  	_ =	sdelay $0x2  }
0x3f: {  	s14 =	sadd.s32 $0x800, s14;
	s15 =	sadd.s32 s15, s11  }
.Ltmp6:
0x40: {  	_ = 	snop;
	(pc) =	sbr.rel .LBB2_8-.Ltmp6, $1  }
0x41: {  	_ =	sdelay $0x3  }
.LBB2_10:
0x42: {  	_ =	sfence.sel $0x180000  }
0x43: {  	s2 =	simm.s32 $0x2;
	[bflag:$0x0] =	sbarrier.arrive $0xFFFF  }
0x44: {  	s30 =	simm.s32 $0x3;
	[sflag:s2] =	ssyncpa.u1 $0x1  }
0x45: {  	s31 =	simm.s32 $0x1;
	[sflag:s30] =	ssyncpa.u1 $0x1  }
0x46: {  	[sflag:s31] =	ssyncpa.u1 $0x1  }
0x47: {  	p0 =	sne.s32 s1, $0x0;
	_ =	strace $0x90000047  }
0x48: {  	s0 =	sadd.s32 @!p0 $0x100000, s0;
	[bflag:$0x2] =	sbarrier.arrive $0xFFFF  }
0x49: {  	[sflag:s0] =	ssyncadd.tile.s32 @!p0 $0x1;
	_ =	shalt  }
.Lfunc_end2:
_tile_overlayer_lowered:
.L_overlay_start_2:
0x4a: {  	(tag) =	ssettag $0x2  }
0x4b: {  	s0 =	rddreg [dreg:$0x0];
	s2 =	stileid.u32  }
0x4c: {  	s1 =	rddreg [dreg:$0x1];
	p0 =	sne.s32 s2, $0x0  }
0x4d: {  	s3 =	rddreg [dreg:$0x2];
	[bflag:$0x3] =	sbarrier.arrive $0xFFFF;
	s2 =	simm.s32 @!p0 $0x1C01  }
0x4e: {  	[timem:s3], [sflag:s2] =	dma.local @!p0 [hbm:s0], s1  }
0x4f: {  	s0 =	simm.s32 @!p0 $0x1  }
0x50: {  	_ =	swait.ge @!p0 [sflag:s0], s1  }
0x51: {  	s1 =	ssub.s32 @!p0 $0x0, s1;
	[sflag:s0] =	ssyncset.done @!p0 $0x0  }
0x52: {  	[sflag:s0] =	ssyncadd.s32 @!p0 s1  }
0x53: {  	[bflag:$0x3] =	sbarrier.arrive $0xFFFF  }
0x54: {  	_ =	shalt  }

</sc_bundles>
